<compile_context>
chip_gen: v7x
topology: tpu7x:2x2x1
jax: 0.10.2.dev20260603
libtpu: 0.0.44.dev20260713+nightly
codegen_flags: <defaults>
</compile_context>

<pallas_src>
import functools

import jax
import jax.numpy as jnp
from jax import lax
from jax.experimental import pallas as pl
from jax.experimental.pallas import tpu as pltpu
from jax.experimental.pallas import tpu_sc as plsc

_N = 10000
_NF = 128
_H1, _H2, _H3 = 64, 32, 40
_E = 320000

_NSUB = 16
_NTILE = 32
_CH = 128
_NCH = 80
_EP = _CH * _NCH
_EPAD = _NTILE * _EP
_NPAD = 10240
_RPS = _NPAD // _NSUB


def _sc_mesh():
    return plsc.VectorSubcoreMesh(
        core_axis_name="c", subcore_axis_name="s", num_cores=2, num_subcores=_NSUB
    )



def _deg_body(dst_hbm, zeros_hbm, ones_hbm, out_hbm, dst_v, buf, acc):
    c = lax.axis_index("c")
    s = lax.axis_index("s")
    pltpu.sync_copy(dst_hbm.at[c * _NSUB + s], dst_v)
    pltpu.sync_copy(ones_hbm, buf)
    pltpu.sync_copy(zeros_hbm, acc.at[pl.ds(s * _RPS, _RPS)])
    plsc.subcore_barrier()

    def body(j, carry):
        pltpu.sync_copy(buf, acc.at[dst_v.at[j]], add=True)
        return carry

    lax.fori_loop(0, _NCH, body, 0)
    plsc.subcore_barrier()
    pltpu.sync_copy(acc.at[pl.ds(s * _RPS, _RPS)], out_hbm.at[c].at[pl.ds(s * _RPS, _RPS)])


def _deg_call(dst3, zeros_2d, ones_2d):
    kern = pl.kernel(
        _deg_body,
        out_type=jax.ShapeDtypeStruct((2, _NPAD, 1), jnp.float32),
        mesh=_sc_mesh(),
        compiler_params=pltpu.CompilerParams(use_tc_tiling_on_sc=False),
        scratch_types=[
            pltpu.VMEM((_NCH, _CH), jnp.int32),
            pltpu.VMEM((_CH, 1), jnp.float32),
            pltpu.VMEM_SHARED((_NPAD, 1), jnp.float32),
        ],
    )
    return kern(dst3, zeros_2d, ones_2d)



def _agg_body(g_hbm, src_hbm, dst_hbm, zeros_hbm, out_hbm, src_v, dst_v, buf, acc, gsem):
    c = lax.axis_index("c")
    s = lax.axis_index("s")
    tid = c * _NSUB + s
    pltpu.sync_copy(src_hbm.at[tid], src_v)
    pltpu.sync_copy(dst_hbm.at[tid], dst_v)
    pltpu.sync_copy(zeros_hbm, acc.at[pl.ds(s * _RPS, _RPS)])
    plsc.subcore_barrier()

    def body(j, carry):
        pltpu.async_copy(g_hbm.at[src_v.at[j]], buf, gsem).wait()
        pltpu.sync_copy(buf, acc.at[dst_v.at[j]], add=True)
        return carry

    lax.fori_loop(0, _NCH, body, 0)
    plsc.subcore_barrier()
    pltpu.sync_copy(acc.at[pl.ds(s * _RPS, _RPS)], out_hbm.at[c].at[pl.ds(s * _RPS, _RPS)])


def _agg_call(f, g, src3, dst3, zeros_2d):
    kern = pl.kernel(
        _agg_body,
        out_type=jax.ShapeDtypeStruct((2, _NPAD, f), jnp.float32),
        mesh=_sc_mesh(),
        compiler_params=pltpu.CompilerParams(use_tc_tiling_on_sc=False),
        scratch_types=[
            pltpu.VMEM((_NCH, _CH), jnp.int32),
            pltpu.VMEM((_NCH, _CH), jnp.int32),
            pltpu.VMEM((_CH, f), jnp.float32),
            pltpu.VMEM_SHARED((_NPAD, f), jnp.float32),
            pltpu.SemaphoreType.DMA,
        ],
    )
    return kern(g, src3, dst3, zeros_2d)



def _dinv_from(deg_ref):
    deg = deg_ref[0, : _N, :] + deg_ref[1, : _N, :] + 1.0
    return lax.rsqrt(deg)


def _tc1_body(deg_ref, x_ref, w_ref, g_ref):
    dinv = _dinv_from(deg_ref)
    h = jnp.dot(x_ref[...], w_ref[...], preferred_element_type=jnp.float32)
    g_ref[...] = h * dinv


def _tc2_body(deg_ref, s_ref, gin_ref, b_ref, w_ref, g_ref):
    dinv = _dinv_from(deg_ref)
    sagg = s_ref[0, : _N, :] + s_ref[1, : _N, :]
    a = jnp.tanh(dinv * (sagg + gin_ref[...]) + b_ref[...])
    g_ref[...] = jnp.dot(a, w_ref[...], preferred_element_type=jnp.float32) * dinv


def _tc3_body(deg_ref, s_ref, gin_ref, b_ref, w_ref, emb_ref, g_ref):
    dinv = _dinv_from(deg_ref)
    sagg = s_ref[0, : _N, :] + s_ref[1, : _N, :]
    emb = dinv * (sagg + gin_ref[...]) + b_ref[...]
    emb_ref[...] = emb
    a = jnp.tanh(emb)
    g_ref[...] = jnp.dot(a, w_ref[...], preferred_element_type=jnp.float32) * dinv


def _tc4_body(deg_ref, s_ref, gin_ref, b_ref, out_ref):
    dinv = _dinv_from(deg_ref)
    sagg = s_ref[0, : _N, :] + s_ref[1, : _N, :]
    out_ref[...] = dinv * (sagg + gin_ref[...]) + b_ref[...]


def _tc1(degT, x, w):
    return pl.pallas_call(
        _tc1_body, out_shape=jax.ShapeDtypeStruct((_N, _H1), jnp.float32)
    )(degT, x, w)


def _tc2(degT, s1, g1, b1, w2):
    return pl.pallas_call(
        _tc2_body, out_shape=jax.ShapeDtypeStruct((_N, _H2), jnp.float32)
    )(degT, s1, g1, b1, w2)


def _tc3(degT, s2, g2, b2, w3):
    return pl.pallas_call(
        _tc3_body,
        out_shape=[
            jax.ShapeDtypeStruct((_N, _H2), jnp.float32),
            jax.ShapeDtypeStruct((_N, _H3), jnp.float32),
        ],
    )(degT, s2, g2, b2, w3)


def _tc4(degT, s3, g3, b3):
    return pl.pallas_call(
        _tc4_body, out_shape=jax.ShapeDtypeStruct((_N, _H3), jnp.float32)
    )(degT, s3, g3, b3)



def kernel(x, edge_index, W1, b1, W2, b2, W3, b3):
    src = edge_index[0]
    dst = edge_index[1]
    padlen = _EPAD - _E
    srcp = jnp.concatenate([src, jnp.zeros((padlen,), src.dtype)])
    dstp = jnp.concatenate([dst, jnp.full((padlen,), _N, dst.dtype)])
    src3 = srcp.reshape(_NTILE, _NCH, _CH)
    dst3 = dstp.reshape(_NTILE, _NCH, _CH)

    degT = _deg_call(
        dst3, jnp.zeros((_RPS, 1), jnp.float32), jnp.ones((_CH, 1), jnp.float32)
    )

    g1 = _tc1(degT, x, W1)
    s1 = _agg_call(_H1, g1, src3, dst3, jnp.zeros((_RPS, _H1), jnp.float32))
    g2 = _tc2(degT, s1, g1, b1.reshape(1, -1), W2)
    s2 = _agg_call(_H2, g2, src3, dst3, jnp.zeros((_RPS, _H2), jnp.float32))
    emb, g3 = _tc3(degT, s2, g2, b2.reshape(1, -1), W3)
    s3 = _agg_call(_H3, g3, src3, dst3, jnp.zeros((_RPS, _H3), jnp.float32))
    logits = _tc4(degT, s3, g3, b3.reshape(1, -1))
    return (logits, emb)

# --- scband reference (transcript-rebuilt; emitter-appended) ---
"""Pipeline reference for scband-custom-gcn-64733747085460 (READ-ONLY COPY).

The authoritative reference and input builder live on the scoring server;
editing this copy changes nothing except your own understanding.
"""

import jax, jax.numpy as jnp
import numpy as np

N = 10000
E = 320000
NF = 128
HC1 = 64
HC2 = 32
NC = 40


def gcn_conv(x, edge_index, W, b):
    # PyG-style GCNConv: add self-loops, symmetric normalization, linear transform, scatter-add aggregate
    n = x.shape[0]
    src = edge_index[0]
    dst = edge_index[1]
    loop = jnp.arange(n, dtype=edge_index.dtype)
    src = jnp.concatenate([src, loop])
    dst = jnp.concatenate([dst, loop])
    ones = jnp.ones(src.shape[0], dtype=x.dtype)
    deg = jax.ops.segment_sum(ones, dst, num_segments=n)
    dinv = jnp.where(deg > 0, jax.lax.rsqrt(deg), 0.0)
    norm = dinv[src] * dinv[dst]
    h = x @ W
    msg = h[src] * norm[:, None]
    out = jax.ops.segment_sum(msg, dst, num_segments=n)
    return out + b


def setup_inputs(seed: int = 0) -> dict:
    key = jax.random.key(seed)
    ks = jax.random.split(key, 8)
    x = jax.random.normal(ks[0], (N, NF), dtype=jnp.float32)
    edge_index = jax.random.randint(ks[1], (2, E), 0, N, dtype=jnp.int32)
    W1 = jax.random.normal(ks[2], (NF, HC1), dtype=jnp.float32) * (1.0 / np.sqrt(NF))
    b1 = jnp.zeros((HC1,), dtype=jnp.float32)
    W2 = jax.random.normal(ks[3], (HC1, HC2), dtype=jnp.float32) * (1.0 / np.sqrt(HC1))
    b2 = jnp.zeros((HC2,), dtype=jnp.float32)
    W3 = jax.random.normal(ks[4], (HC2, NC), dtype=jnp.float32) * (1.0 / np.sqrt(HC2))
    b3 = jnp.zeros((NC,), dtype=jnp.float32)
    return {"x": x, "edge_index": edge_index, "W1": W1, "b1": b1, "W2": W2, "b2": b2, "W3": W3, "b3": b3}


def reference(x, edge_index, W1, b1, W2, b2, W3, b3):
    # eval mode: dropout is identity
    h = jnp.tanh(gcn_conv(x, edge_index, W1, b1))
    emb = gcn_conv(h, edge_index, W2, b2)
    h_act = jnp.tanh(emb)
    logits = gcn_conv(h_act, edge_index, W3, b3)
    return (logits, emb)

if __name__ == "__main__":
    import jax
    _d = setup_inputs()
    print(jax.jit(kernel)(*tuple(_d.values())))

</pallas_src>

<mosaic_0001>
#map = affine_map<(d0, d1) -> (0, 0)>
#map1 = affine_map<(d0, d1) -> (0, 0, 0)>
module attributes {stable_mosaic.version = 14 : i64} {
  func.func @_agg_body(%arg0: i32, %arg1: i32, %arg2: memref<10000x32xf32, #tpu.memory_space<hbm>>, %arg3: memref<32x80x128xi32, #tpu.memory_space<hbm>>, %arg4: memref<32x80x128xi32, #tpu.memory_space<hbm>>, %arg5: memref<640x32xf32, #tpu.memory_space<hbm>>, %arg6: memref<2x10240x32xf32, #tpu.memory_space<hbm>>, %arg7: memref<80x128xi32, #tpu.memory_space<vmem>>, %arg8: memref<80x128xi32, #tpu.memory_space<vmem>>, %arg9: memref<128x32xf32, #tpu.memory_space<vmem>>, %arg10: memref<10240x32xf32, #tpu.memory_space<vmem_shared>>, %arg11: memref<!tpu.dma_semaphore, #tpu.memory_space<semaphore_mem>>) attributes {dimension_semantics = [#tpu.dimension_semantics<core_parallel>, #tpu.dimension_semantics<subcore_parallel>], iteration_bounds = array<i64: 2, 16>, scalar_prefetch = 0 : i64, scratch_operands = 5 : i64, tpu.core_type = #tpu.core_type<sc_vector_subcore>, window_params = [{transform_indices = #map}, {transform_indices = #map1}, {transform_indices = #map1}, {transform_indices = #map}, {transform_indices = #map1}]} {
    %mul3A = arith.constant 16 : i32
    %mul3A_0 = arith.muli %arg0, %mul3A : i32
    %add3A = arith.addi %mul3A_0, %arg1 : i32
    "tpu.region"() ({
      %run_scoped3A = tpu.sem_alloc : memref<!tpu.dma_semaphore, #tpu.memory_space<semaphore_mem>>
      %dma_start3A = arith.constant 0 : i32
      %dma_start3A_13 = arith.constant 0 : i32
      %dma_start3A_14 = tpu.memref_slice %arg3[%add3A, %dma_start3A, %dma_start3A_13] : memref<32x80x128xi32, #tpu.memory_space<hbm>> -> memref<1x80x128xi32, #tpu.memory_space<hbm>>
      %dma_start3A_15 = tpu.memref_squeeze %dma_start3A_14 : memref<1x80x128xi32, #tpu.memory_space<hbm>> -> memref<80x128xi32, #tpu.memory_space<hbm>>
      %dma_start3A_16 = arith.constant 0 : i32
      %dma_start3A_17 = arith.constant 0 : i32
      %dma_start3A_18 = tpu.memref_slice %arg3[%add3A, %dma_start3A_16, %dma_start3A_17] : memref<32x80x128xi32, #tpu.memory_space<hbm>> -> memref<1x80x128xi32, #tpu.memory_space<hbm>>
      %dma_start3A_19 = tpu.memref_squeeze %dma_start3A_18 : memref<1x80x128xi32, #tpu.memory_space<hbm>> -> memref<80x128xi32, #tpu.memory_space<hbm>>
      tpu.enqueue_dma source(%dma_start3A_19 : memref<80x128xi32, #tpu.memory_space<hbm>>) target(%arg7 : memref<80x128xi32, #tpu.memory_space<vmem>>) target_semaphore(%run_scoped3A : memref<!tpu.dma_semaphore, #tpu.memory_space<semaphore_mem>>)
      %dma_wait3A = arith.constant 0 : i32
      %dma_wait3A_20 = arith.constant 0 : i32
      %dma_wait3A_21 = tpu.memref_slice %arg3[%add3A, %dma_wait3A, %dma_wait3A_20] : memref<32x80x128xi32, #tpu.memory_space<hbm>> -> memref<1x80x128xi32, #tpu.memory_space<hbm>>
      %dma_wait3A_22 = tpu.memref_squeeze %dma_wait3A_21 : memref<1x80x128xi32, #tpu.memory_space<hbm>> -> memref<80x128xi32, #tpu.memory_space<hbm>>
      %dma_wait3A_23 = arith.constant 0 : i32
      %dma_wait3A_24 = arith.constant 0 : i32
      %dma_wait3A_25 = tpu.memref_slice %arg3[%add3A, %dma_wait3A_23, %dma_wait3A_24] : memref<32x80x128xi32, #tpu.memory_space<hbm>> -> memref<1x80x128xi32, #tpu.memory_space<hbm>>
      %dma_wait3A_26 = tpu.memref_squeeze %dma_wait3A_25 : memref<1x80x128xi32, #tpu.memory_space<hbm>> -> memref<80x128xi32, #tpu.memory_space<hbm>>
      tpu.wait_dma2 semaphore(%run_scoped3A : memref<!tpu.dma_semaphore, #tpu.memory_space<semaphore_mem>>) src(%dma_wait3A_26 : memref<80x128xi32, #tpu.memory_space<hbm>>) dst(%arg7 : memref<80x128xi32, #tpu.memory_space<vmem>>)
      tpu.yield
    }) : () -> ()
    "tpu.region"() ({
      %run_scoped3A = tpu.sem_alloc : memref<!tpu.dma_semaphore, #tpu.memory_space<semaphore_mem>>
      %dma_start3A = arith.constant 0 : i32
      %dma_start3A_13 = arith.constant 0 : i32
      %dma_start3A_14 = tpu.memref_slice %arg4[%add3A, %dma_start3A, %dma_start3A_13] : memref<32x80x128xi32, #tpu.memory_space<hbm>> -> memref<1x80x128xi32, #tpu.memory_space<hbm>>
      %dma_start3A_15 = tpu.memref_squeeze %dma_start3A_14 : memref<1x80x128xi32, #tpu.memory_space<hbm>> -> memref<80x128xi32, #tpu.memory_space<hbm>>
      %dma_start3A_16 = arith.constant 0 : i32
      %dma_start3A_17 = arith.constant 0 : i32
      %dma_start3A_18 = tpu.memref_slice %arg4[%add3A, %dma_start3A_16, %dma_start3A_17] : memref<32x80x128xi32, #tpu.memory_space<hbm>> -> memref<1x80x128xi32, #tpu.memory_space<hbm>>
      %dma_start3A_19 = tpu.memref_squeeze %dma_start3A_18 : memref<1x80x128xi32, #tpu.memory_space<hbm>> -> memref<80x128xi32, #tpu.memory_space<hbm>>
      tpu.enqueue_dma source(%dma_start3A_19 : memref<80x128xi32, #tpu.memory_space<hbm>>) target(%arg8 : memref<80x128xi32, #tpu.memory_space<vmem>>) target_semaphore(%run_scoped3A : memref<!tpu.dma_semaphore, #tpu.memory_space<semaphore_mem>>)
      %dma_wait3A = arith.constant 0 : i32
      %dma_wait3A_20 = arith.constant 0 : i32
      %dma_wait3A_21 = tpu.memref_slice %arg4[%add3A, %dma_wait3A, %dma_wait3A_20] : memref<32x80x128xi32, #tpu.memory_space<hbm>> -> memref<1x80x128xi32, #tpu.memory_space<hbm>>
      %dma_wait3A_22 = tpu.memref_squeeze %dma_wait3A_21 : memref<1x80x128xi32, #tpu.memory_space<hbm>> -> memref<80x128xi32, #tpu.memory_space<hbm>>
      %dma_wait3A_23 = arith.constant 0 : i32
      %dma_wait3A_24 = arith.constant 0 : i32
      %dma_wait3A_25 = tpu.memref_slice %arg4[%add3A, %dma_wait3A_23, %dma_wait3A_24] : memref<32x80x128xi32, #tpu.memory_space<hbm>> -> memref<1x80x128xi32, #tpu.memory_space<hbm>>
      %dma_wait3A_26 = tpu.memref_squeeze %dma_wait3A_25 : memref<1x80x128xi32, #tpu.memory_space<hbm>> -> memref<80x128xi32, #tpu.memory_space<hbm>>
      tpu.wait_dma2 semaphore(%run_scoped3A : memref<!tpu.dma_semaphore, #tpu.memory_space<semaphore_mem>>) src(%dma_wait3A_26 : memref<80x128xi32, #tpu.memory_space<hbm>>) dst(%arg8 : memref<80x128xi32, #tpu.memory_space<vmem>>)
      tpu.yield
    }) : () -> ()
    %mul3A_1 = arith.constant 640 : i32
    %mul3A_2 = arith.muli %arg1, %mul3A_1 : i32
    "tpu.region"() ({
      %run_scoped3A = tpu.sem_alloc : memref<!tpu.dma_semaphore, #tpu.memory_space<semaphore_mem>>
      %dma_start3A = arith.constant 0 : i32
      %dma_start3A_13 = tpu.memref_slice %arg10[%mul3A_2, %dma_start3A] : memref<10240x32xf32, #tpu.memory_space<vmem_shared>> -> memref<640x32xf32, #tpu.memory_space<vmem_shared>>
      tpu.enqueue_dma source(%arg5 : memref<640x32xf32, #tpu.memory_space<hbm>>) target(%dma_start3A_13 : memref<640x32xf32, #tpu.memory_space<vmem_shared>>) target_semaphore(%run_scoped3A : memref<!tpu.dma_semaphore, #tpu.memory_space<semaphore_mem>>)
      %dma_wait3A = arith.constant 0 : i32
      %dma_wait3A_14 = tpu.memref_slice %arg10[%mul3A_2, %dma_wait3A] : memref<10240x32xf32, #tpu.memory_space<vmem_shared>> -> memref<640x32xf32, #tpu.memory_space<vmem_shared>>
      tpu.wait_dma2 semaphore(%run_scoped3A : memref<!tpu.dma_semaphore, #tpu.memory_space<semaphore_mem>>) src(%arg5 : memref<640x32xf32, #tpu.memory_space<hbm>>) dst(%dma_wait3A_14 : memref<640x32xf32, #tpu.memory_space<vmem_shared>>)
      tpu.yield
    }) : () -> ()
    %barrier3A = arith.constant 0 : index
    tpu.barrier barrier_id(%barrier3A)
    %scan3A = arith.constant 0 : i32
    %scan3A_3 = arith.constant 0 : i32
    %scan3A_4 = arith.constant 80 : i32
    %scan3A_5 = arith.addi %scan3A_3, %scan3A_4 : i32
    %scan3A_6 = arith.constant 1 : i32
    scf.for %scan3A_13 = %scan3A_3 to %scan3A_5 step %scan3A_6  : i32 {
      %dma_start3A = arith.constant 0 : i32
      %dma_start3A_14 = tpu.memref_slice %arg7[%scan3A_13, %dma_start3A] : memref<80x128xi32, #tpu.memory_space<vmem>> -> memref<1x128xi32, #tpu.memory_space<vmem>>
      %dma_start3A_15 = tpu.memref_squeeze %dma_start3A_14 : memref<1x128xi32, #tpu.memory_space<vmem>> -> memref<128xi32, #tpu.memory_space<vmem>>
      %dma_start3A_16 = arith.constant 0 : i32
      %dma_start3A_17 = arith.constant 0 : i32
      %dma_start3A_18 = tpu.memref_slice %arg2[%dma_start3A_16, %dma_start3A_17] : memref<10000x32xf32, #tpu.memory_space<hbm>> -> memref<10000x32xf32, #tpu.memory_space<hbm>>
      tpu.enqueue_indirect_dma source(%dma_start3A_18 : memref<10000x32xf32, #tpu.memory_space<hbm>>) target(%arg9 : memref<128x32xf32, #tpu.memory_space<vmem>>) offsets(%dma_start3A_15 : memref<128xi32, #tpu.memory_space<vmem>>) semaphore(%arg11 : memref<!tpu.dma_semaphore, #tpu.memory_space<semaphore_mem>>)
      %dma_wait3A = arith.constant 0 : i32
      %dma_wait3A_19 = tpu.memref_slice %arg7[%scan3A_13, %dma_wait3A] : memref<80x128xi32, #tpu.memory_space<vmem>> -> memref<1x128xi32, #tpu.memory_space<vmem>>
      %dma_wait3A_20 = tpu.memref_squeeze %dma_wait3A_19 : memref<1x128xi32, #tpu.memory_space<vmem>> -> memref<128xi32, #tpu.memory_space<vmem>>
      %dma_wait3A_21 = arith.constant 0 : i32
      %dma_wait3A_22 = arith.constant 0 : i32
      %dma_wait3A_23 = tpu.memref_slice %arg2[%dma_wait3A_21, %dma_wait3A_22] : memref<10000x32xf32, #tpu.memory_space<hbm>> -> memref<10000x32xf32, #tpu.memory_space<hbm>>
      tpu.wait_indirect_dma semaphore(%arg11 : memref<!tpu.dma_semaphore, #tpu.memory_space<semaphore_mem>>) src(%dma_wait3A_23 : memref<10000x32xf32, #tpu.memory_space<hbm>>) dst(%arg9 : memref<128x32xf32, #tpu.memory_space<vmem>>)
      "tpu.region"() ({
        %run_scoped3A = tpu.sem_alloc : memref<!tpu.dma_semaphore, #tpu.memory_space<semaphore_mem>>
        %dma_start3A_24 = arith.constant 0 : i32
        %dma_start3A_25 = tpu.memref_slice %arg8[%scan3A_13, %dma_start3A_24] : memref<80x128xi32, #tpu.memory_space<vmem>> -> memref<1x128xi32, #tpu.memory_space<vmem>>
        %dma_start3A_26 = tpu.memref_squeeze %dma_start3A_25 : memref<1x128xi32, #tpu.memory_space<vmem>> -> memref<128xi32, #tpu.memory_space<vmem>>
        %dma_start3A_27 = arith.constant 0 : i32
        %dma_start3A_28 = arith.constant 0 : i32
        %dma_start3A_29 = tpu.memref_slice %arg10[%dma_start3A_27, %dma_start3A_28] : memref<10240x32xf32, #tpu.memory_space<vmem_shared>> -> memref<10240x32xf32, #tpu.memory_space<vmem_shared>>
        tpu.enqueue_indirect_dma source(%arg9 : memref<128x32xf32, #tpu.memory_space<vmem>>) target(%dma_start3A_29 : memref<10240x32xf32, #tpu.memory_space<vmem_shared>>) offsets(%dma_start3A_26 : memref<128xi32, #tpu.memory_space<vmem>>) semaphore(%run_scoped3A : memref<!tpu.dma_semaphore, #tpu.memory_space<semaphore_mem>>) {add = true}
        %dma_wait3A_30 = arith.constant 0 : i32
        %dma_wait3A_31 = tpu.memref_slice %arg8[%scan3A_13, %dma_wait3A_30] : memref<80x128xi32, #tpu.memory_space<vmem>> -> memref<1x128xi32, #tpu.memory_space<vmem>>
        %dma_wait3A_32 = tpu.memref_squeeze %dma_wait3A_31 : memref<1x128xi32, #tpu.memory_space<vmem>> -> memref<128xi32, #tpu.memory_space<vmem>>
        %dma_wait3A_33 = arith.constant 0 : i32
        %dma_wait3A_34 = arith.constant 0 : i32
        %dma_wait3A_35 = tpu.memref_slice %arg10[%dma_wait3A_33, %dma_wait3A_34] : memref<10240x32xf32, #tpu.memory_space<vmem_shared>> -> memref<10240x32xf32, #tpu.memory_space<vmem_shared>>
        tpu.wait_indirect_dma semaphore(%run_scoped3A : memref<!tpu.dma_semaphore, #tpu.memory_space<semaphore_mem>>) src(%arg9 : memref<128x32xf32, #tpu.memory_space<vmem>>) dst(%dma_wait3A_35 : memref<10240x32xf32, #tpu.memory_space<vmem_shared>>)
        tpu.yield
      }) : () -> ()
    }
    %scan3A_7 = arith.constant 80 : i32
    %barrier3A_8 = arith.constant 0 : index
    tpu.barrier barrier_id(%barrier3A_8)
    %mul3A_9 = arith.constant 640 : i32
    %mul3A_10 = arith.muli %arg1, %mul3A_9 : i32
    %mul3A_11 = arith.constant 640 : i32
    %mul3A_12 = arith.muli %arg1, %mul3A_11 : i32
    "tpu.region"() ({
      %run_scoped3A = tpu.sem_alloc : memref<!tpu.dma_semaphore, #tpu.memory_space<semaphore_mem>>
      %dma_start3A = arith.constant 0 : i32
      %dma_start3A_13 = arith.constant 0 : i32
      %dma_start3A_14 = tpu.memref_slice %arg6[%arg0, %dma_start3A, %dma_start3A_13] : memref<2x10240x32xf32, #tpu.memory_space<hbm>> -> memref<1x10240x32xf32, #tpu.memory_space<hbm>>
      %dma_start3A_15 = tpu.memref_squeeze %dma_start3A_14 : memref<1x10240x32xf32, #tpu.memory_space<hbm>> -> memref<10240x32xf32, #tpu.memory_space<hbm>>
      %dma_start3A_16 = arith.constant 0 : i32
      %dma_start3A_17 = tpu.memref_slice %dma_start3A_15[%mul3A_12, %dma_start3A_16] : memref<10240x32xf32, #tpu.memory_space<hbm>> -> memref<640x32xf32, #tpu.memory_space<hbm>>
      %dma_start3A_18 = arith.constant 0 : i32
      %dma_start3A_19 = tpu.memref_slice %arg10[%mul3A_10, %dma_start3A_18] : memref<10240x32xf32, #tpu.memory_space<vmem_shared>> -> memref<640x32xf32, #tpu.memory_space<vmem_shared>>
      tpu.enqueue_dma source(%dma_start3A_19 : memref<640x32xf32, #tpu.memory_space<vmem_shared>>) target(%dma_start3A_17 : memref<640x32xf32, #tpu.memory_space<hbm>>) target_semaphore(%run_scoped3A : memref<!tpu.dma_semaphore, #tpu.memory_space<semaphore_mem>>)
      %dma_wait3A = arith.constant 0 : i32
      %dma_wait3A_20 = arith.constant 0 : i32
      %dma_wait3A_21 = tpu.memref_slice %arg6[%arg0, %dma_wait3A, %dma_wait3A_20] : memref<2x10240x32xf32, #tpu.memory_space<hbm>> -> memref<1x10240x32xf32, #tpu.memory_space<hbm>>
      %dma_wait3A_22 = tpu.memref_squeeze %dma_wait3A_21 : memref<1x10240x32xf32, #tpu.memory_space<hbm>> -> memref<10240x32xf32, #tpu.memory_space<hbm>>
      %dma_wait3A_23 = arith.constant 0 : i32
      %dma_wait3A_24 = tpu.memref_slice %dma_wait3A_22[%mul3A_12, %dma_wait3A_23] : memref<10240x32xf32, #tpu.memory_space<hbm>> -> memref<640x32xf32, #tpu.memory_space<hbm>>
      %dma_wait3A_25 = arith.constant 0 : i32
      %dma_wait3A_26 = tpu.memref_slice %arg10[%mul3A_10, %dma_wait3A_25] : memref<10240x32xf32, #tpu.memory_space<vmem_shared>> -> memref<640x32xf32, #tpu.memory_space<vmem_shared>>
      tpu.wait_dma2 semaphore(%run_scoped3A : memref<!tpu.dma_semaphore, #tpu.memory_space<semaphore_mem>>) src(%dma_wait3A_26 : memref<640x32xf32, #tpu.memory_space<vmem_shared>>) dst(%dma_wait3A_24 : memref<640x32xf32, #tpu.memory_space<hbm>>)
      tpu.yield
    }) : () -> ()
    return
  }
}

#map = affine_map<(d0, d1) -> (0, 0)>
#map1 = affine_map<(d0, d1) -> (0, 0, 0)>
module attributes {stable_mosaic.version = 14 : i64} {
  func.func @_agg_body(%arg0: i32, %arg1: i32, %arg2: memref<10000x64xf32, #tpu.memory_space<hbm>>, %arg3: memref<32x80x128xi32, #tpu.memory_space<hbm>>, %arg4: memref<32x80x128xi32, #tpu.memory_space<hbm>>, %arg5: memref<640x64xf32, #tpu.memory_space<hbm>>, %arg6: memref<2x10240x64xf32, #tpu.memory_space<hbm>>, %arg7: memref<80x128xi32, #tpu.memory_space<vmem>>, %arg8: memref<80x128xi32, #tpu.memory_space<vmem>>, %arg9: memref<128x64xf32, #tpu.memory_space<vmem>>, %arg10: memref<10240x64xf32, #tpu.memory_space<vmem_shared>>, %arg11: memref<!tpu.dma_semaphore, #tpu.memory_space<semaphore_mem>>) attributes {dimension_semantics = [#tpu.dimension_semantics<core_parallel>, #tpu.dimension_semantics<subcore_parallel>], iteration_bounds = array<i64: 2, 16>, scalar_prefetch = 0 : i64, scratch_operands = 5 : i64, tpu.core_type = #tpu.core_type<sc_vector_subcore>, window_params = [{transform_indices = #map}, {transform_indices = #map1}, {transform_indices = #map1}, {transform_indices = #map}, {transform_indices = #map1}]} {
    %mul3A = arith.constant 16 : i32
    %mul3A_0 = arith.muli %arg0, %mul3A : i32
    %add3A = arith.addi %mul3A_0, %arg1 : i32
    "tpu.region"() ({
      %run_scoped3A = tpu.sem_alloc : memref<!tpu.dma_semaphore, #tpu.memory_space<semaphore_mem>>
      %dma_start3A = arith.constant 0 : i32
      %dma_start3A_13 = arith.constant 0 : i32
      %dma_start3A_14 = tpu.memref_slice %arg3[%add3A, %dma_start3A, %dma_start3A_13] : memref<32x80x128xi32, #tpu.memory_space<hbm>> -> memref<1x80x128xi32, #tpu.memory_space<hbm>>
      %dma_start3A_15 = tpu.memref_squeeze %dma_start3A_14 : memref<1x80x128xi32, #tpu.memory_space<hbm>> -> memref<80x128xi32, #tpu.memory_space<hbm>>
      %dma_start3A_16 = arith.constant 0 : i32
      %dma_start3A_17 = arith.constant 0 : i32
      %dma_start3A_18 = tpu.memref_slice %arg3[%add3A, %dma_start3A_16, %dma_start3A_17] : memref<32x80x128xi32, #tpu.memory_space<hbm>> -> memref<1x80x128xi32, #tpu.memory_space<hbm>>
      %dma_start3A_19 = tpu.memref_squeeze %dma_start3A_18 : memref<1x80x128xi32, #tpu.memory_space<hbm>> -> memref<80x128xi32, #tpu.memory_space<hbm>>
      tpu.enqueue_dma source(%dma_start3A_19 : memref<80x128xi32, #tpu.memory_space<hbm>>) target(%arg7 : memref<80x128xi32, #tpu.memory_space<vmem>>) target_semaphore(%run_scoped3A : memref<!tpu.dma_semaphore, #tpu.memory_space<semaphore_mem>>)
      %dma_wait3A = arith.constant 0 : i32
      %dma_wait3A_20 = arith.constant 0 : i32
      %dma_wait3A_21 = tpu.memref_slice %arg3[%add3A, %dma_wait3A, %dma_wait3A_20] : memref<32x80x128xi32, #tpu.memory_space<hbm>> -> memref<1x80x128xi32, #tpu.memory_space<hbm>>
      %dma_wait3A_22 = tpu.memref_squeeze %dma_wait3A_21 : memref<1x80x128xi32, #tpu.memory_space<hbm>> -> memref<80x128xi32, #tpu.memory_space<hbm>>
      %dma_wait3A_23 = arith.constant 0 : i32
      %dma_wait3A_24 = arith.constant 0 : i32
      %dma_wait3A_25 = tpu.memref_slice %arg3[%add3A, %dma_wait3A_23, %dma_wait3A_24] : memref<32x80x128xi32, #tpu.memory_space<hbm>> -> memref<1x80x128xi32, #tpu.memory_space<hbm>>
      %dma_wait3A_26 = tpu.memref_squeeze %dma_wait3A_25 : memref<1x80x128xi32, #tpu.memory_space<hbm>> -> memref<80x128xi32, #tpu.memory_space<hbm>>
      tpu.wait_dma2 semaphore(%run_scoped3A : memref<!tpu.dma_semaphore, #tpu.memory_space<semaphore_mem>>) src(%dma_wait3A_26 : memref<80x128xi32, #tpu.memory_space<hbm>>) dst(%arg7 : memref<80x128xi32, #tpu.memory_space<vmem>>)
      tpu.yield
    }) : () -> ()
    "tpu.region"() ({
      %run_scoped3A = tpu.sem_alloc : memref<!tpu.dma_semaphore, #tpu.memory_space<semaphore_mem>>
      %dma_start3A = arith.constant 0 : i32
      %dma_start3A_13 = arith.constant 0 : i32
      %dma_start3A_14 = tpu.memref_slice %arg4[%add3A, %dma_start3A, %dma_start3A_13] : memref<32x80x128xi32, #tpu.memory_space<hbm>> -> memref<1x80x128xi32, #tpu.memory_space<hbm>>
      %dma_start3A_15 = tpu.memref_squeeze %dma_start3A_14 : memref<1x80x128xi32, #tpu.memory_space<hbm>> -> memref<80x128xi32, #tpu.memory_space<hbm>>
      %dma_start3A_16 = arith.constant 0 : i32
      %dma_start3A_17 = arith.constant 0 : i32
      %dma_start3A_18 = tpu.memref_slice %arg4[%add3A, %dma_start3A_16, %dma_start3A_17] : memref<32x80x128xi32, #tpu.memory_space<hbm>> -> memref<1x80x128xi32, #tpu.memory_space<hbm>>
      %dma_start3A_19 = tpu.memref_squeeze %dma_start3A_18 : memref<1x80x128xi32, #tpu.memory_space<hbm>> -> memref<80x128xi32, #tpu.memory_space<hbm>>
      tpu.enqueue_dma source(%dma_start3A_19 : memref<80x128xi32, #tpu.memory_space<hbm>>) target(%arg8 : memref<80x128xi32, #tpu.memory_space<vmem>>) target_semaphore(%run_scoped3A : memref<!tpu.dma_semaphore, #tpu.memory_space<semaphore_mem>>)
      %dma_wait3A = arith.constant 0 : i32
      %dma_wait3A_20 = arith.constant 0 : i32
      %dma_wait3A_21 = tpu.memref_slice %arg4[%add3A, %dma_wait3A, %dma_wait3A_20] : memref<32x80x128xi32, #tpu.memory_space<hbm>> -> memref<1x80x128xi32, #tpu.memory_space<hbm>>
      %dma_wait3A_22 = tpu.memref_squeeze %dma_wait3A_21 : memref<1x80x128xi32, #tpu.memory_space<hbm>> -> memref<80x128xi32, #tpu.memory_space<hbm>>
      %dma_wait3A_23 = arith.constant 0 : i32
      %dma_wait3A_24 = arith.constant 0 : i32
      %dma_wait3A_25 = tpu.memref_slice %arg4[%add3A, %dma_wait3A_23, %dma_wait3A_24] : memref<32x80x128xi32, #tpu.memory_space<hbm>> -> memref<1x80x128xi32, #tpu.memory_space<hbm>>
      %dma_wait3A_26 = tpu.memref_squeeze %dma_wait3A_25 : memref<1x80x128xi32, #tpu.memory_space<hbm>> -> memref<80x128xi32, #tpu.memory_space<hbm>>
      tpu.wait_dma2 semaphore(%run_scoped3A : memref<!tpu.dma_semaphore, #tpu.memory_space<semaphore_mem>>) src(%dma_wait3A_26 : memref<80x128xi32, #tpu.memory_space<hbm>>) dst(%arg8 : memref<80x128xi32, #tpu.memory_space<vmem>>)
      tpu.yield
    }) : () -> ()
    %mul3A_1 = arith.constant 640 : i32
    %mul3A_2 = arith.muli %arg1, %mul3A_1 : i32
    "tpu.region"() ({
      %run_scoped3A = tpu.sem_alloc : memref<!tpu.dma_semaphore, #tpu.memory_space<semaphore_mem>>
      %dma_start3A = arith.constant 0 : i32
      %dma_start3A_13 = tpu.memref_slice %arg10[%mul3A_2, %dma_start3A] : memref<10240x64xf32, #tpu.memory_space<vmem_shared>> -> memref<640x64xf32, #tpu.memory_space<vmem_shared>>
      tpu.enqueue_dma source(%arg5 : memref<640x64xf32, #tpu.memory_space<hbm>>) target(%dma_start3A_13 : memref<640x64xf32, #tpu.memory_space<vmem_shared>>) target_semaphore(%run_scoped3A : memref<!tpu.dma_semaphore, #tpu.memory_space<semaphore_mem>>)
      %dma_wait3A = arith.constant 0 : i32
      %dma_wait3A_14 = tpu.memref_slice %arg10[%mul3A_2, %dma_wait3A] : memref<10240x64xf32, #tpu.memory_space<vmem_shared>> -> memref<640x64xf32, #tpu.memory_space<vmem_shared>>
      tpu.wait_dma2 semaphore(%run_scoped3A : memref<!tpu.dma_semaphore, #tpu.memory_space<semaphore_mem>>) src(%arg5 : memref<640x64xf32, #tpu.memory_space<hbm>>) dst(%dma_wait3A_14 : memref<640x64xf32, #tpu.memory_space<vmem_shared>>)
      tpu.yield
    }) : () -> ()
    %barrier3A = arith.constant 0 : index
    tpu.barrier barrier_id(%barrier3A)
    %scan3A = arith.constant 0 : i32
    %scan3A_3 = arith.constant 0 : i32
    %scan3A_4 = arith.constant 80 : i32
    %scan3A_5 = arith.addi %scan3A_3, %scan3A_4 : i32
    %scan3A_6 = arith.constant 1 : i32
    scf.for %scan3A_13 = %scan3A_3 to %scan3A_5 step %scan3A_6  : i32 {
      %dma_start3A = arith.constant 0 : i32
      %dma_start3A_14 = tpu.memref_slice %arg7[%scan3A_13, %dma_start3A] : memref<80x128xi32, #tpu.memory_space<vmem>> -> memref<1x128xi32, #tpu.memory_space<vmem>>
      %dma_start3A_15 = tpu.memref_squeeze %dma_start3A_14 : memref<1x128xi32, #tpu.memory_space<vmem>> -> memref<128xi32, #tpu.memory_space<vmem>>
      %dma_start3A_16 = arith.constant 0 : i32
      %dma_start3A_17 = arith.constant 0 : i32
      %dma_start3A_18 = tpu.memref_slice %arg2[%dma_start3A_16, %dma_start3A_17] : memref<10000x64xf32, #tpu.memory_space<hbm>> -> memref<10000x64xf32, #tpu.memory_space<hbm>>
      tpu.enqueue_indirect_dma source(%dma_start3A_18 : memref<10000x64xf32, #tpu.memory_space<hbm>>) target(%arg9 : memref<128x64xf32, #tpu.memory_space<vmem>>) offsets(%dma_start3A_15 : memref<128xi32, #tpu.memory_space<vmem>>) semaphore(%arg11 : memref<!tpu.dma_semaphore, #tpu.memory_space<semaphore_mem>>)
      %dma_wait3A = arith.constant 0 : i32
      %dma_wait3A_19 = tpu.memref_slice %arg7[%scan3A_13, %dma_wait3A] : memref<80x128xi32, #tpu.memory_space<vmem>> -> memref<1x128xi32, #tpu.memory_space<vmem>>
      %dma_wait3A_20 = tpu.memref_squeeze %dma_wait3A_19 : memref<1x128xi32, #tpu.memory_space<vmem>> -> memref<128xi32, #tpu.memory_space<vmem>>
      %dma_wait3A_21 = arith.constant 0 : i32
      %dma_wait3A_22 = arith.constant 0 : i32
      %dma_wait3A_23 = tpu.memref_slice %arg2[%dma_wait3A_21, %dma_wait3A_22] : memref<10000x64xf32, #tpu.memory_space<hbm>> -> memref<10000x64xf32, #tpu.memory_space<hbm>>
      tpu.wait_indirect_dma semaphore(%arg11 : memref<!tpu.dma_semaphore, #tpu.memory_space<semaphore_mem>>) src(%dma_wait3A_23 : memref<10000x64xf32, #tpu.memory_space<hbm>>) dst(%arg9 : memref<128x64xf32, #tpu.memory_space<vmem>>)
      "tpu.region"() ({
        %run_scoped3A = tpu.sem_alloc : memref<!tpu.dma_semaphore, #tpu.memory_space<semaphore_mem>>
        %dma_start3A_24 = arith.constant 0 : i32
        %dma_start3A_25 = tpu.memref_slice %arg8[%scan3A_13, %dma_start3A_24] : memref<80x128xi32, #tpu.memory_space<vmem>> -> memref<1x128xi32, #tpu.memory_space<vmem>>
        %dma_start3A_26 = tpu.memref_squeeze %dma_start3A_25 : memref<1x128xi32, #tpu.memory_space<vmem>> -> memref<128xi32, #tpu.memory_space<vmem>>
        %dma_start3A_27 = arith.constant 0 : i32
        %dma_start3A_28 = arith.constant 0 : i32
        %dma_start3A_29 = tpu.memref_slice %arg10[%dma_start3A_27, %dma_start3A_28] : memref<10240x64xf32, #tpu.memory_space<vmem_shared>> -> memref<10240x64xf32, #tpu.memory_space<vmem_shared>>
        tpu.enqueue_indirect_dma source(%arg9 : memref<128x64xf32, #tpu.memory_space<vmem>>) target(%dma_start3A_29 : memref<10240x64xf32, #tpu.memory_space<vmem_shared>>) offsets(%dma_start3A_26 : memref<128xi32, #tpu.memory_space<vmem>>) semaphore(%run_scoped3A : memref<!tpu.dma_semaphore, #tpu.memory_space<semaphore_mem>>) {add = true}
        %dma_wait3A_30 = arith.constant 0 : i32
        %dma_wait3A_31 = tpu.memref_slice %arg8[%scan3A_13, %dma_wait3A_30] : memref<80x128xi32, #tpu.memory_space<vmem>> -> memref<1x128xi32, #tpu.memory_space<vmem>>
        %dma_wait3A_32 = tpu.memref_squeeze %dma_wait3A_31 : memref<1x128xi32, #tpu.memory_space<vmem>> -> memref<128xi32, #tpu.memory_space<vmem>>
        %dma_wait3A_33 = arith.constant 0 : i32
        %dma_wait3A_34 = arith.constant 0 : i32
        %dma_wait3A_35 = tpu.memref_slice %arg10[%dma_wait3A_33, %dma_wait3A_34] : memref<10240x64xf32, #tpu.memory_space<vmem_shared>> -> memref<10240x64xf32, #tpu.memory_space<vmem_shared>>
        tpu.wait_indirect_dma semaphore(%run_scoped3A : memref<!tpu.dma_semaphore, #tpu.memory_space<semaphore_mem>>) src(%arg9 : memref<128x64xf32, #tpu.memory_space<vmem>>) dst(%dma_wait3A_35 : memref<10240x64xf32, #tpu.memory_space<vmem_shared>>)
        tpu.yield
      }) : () -> ()
    }
    %scan3A_7 = arith.constant 80 : i32
    %barrier3A_8 = arith.constant 0 : index
    tpu.barrier barrier_id(%barrier3A_8)
    %mul3A_9 = arith.constant 640 : i32
    %mul3A_10 = arith.muli %arg1, %mul3A_9 : i32
    %mul3A_11 = arith.constant 640 : i32
    %mul3A_12 = arith.muli %arg1, %mul3A_11 : i32
    "tpu.region"() ({
      %run_scoped3A = tpu.sem_alloc : memref<!tpu.dma_semaphore, #tpu.memory_space<semaphore_mem>>
      %dma_start3A = arith.constant 0 : i32
      %dma_start3A_13 = arith.constant 0 : i32
      %dma_start3A_14 = tpu.memref_slice %arg6[%arg0, %dma_start3A, %dma_start3A_13] : memref<2x10240x64xf32, #tpu.memory_space<hbm>> -> memref<1x10240x64xf32, #tpu.memory_space<hbm>>
      %dma_start3A_15 = tpu.memref_squeeze %dma_start3A_14 : memref<1x10240x64xf32, #tpu.memory_space<hbm>> -> memref<10240x64xf32, #tpu.memory_space<hbm>>
      %dma_start3A_16 = arith.constant 0 : i32
      %dma_start3A_17 = tpu.memref_slice %dma_start3A_15[%mul3A_12, %dma_start3A_16] : memref<10240x64xf32, #tpu.memory_space<hbm>> -> memref<640x64xf32, #tpu.memory_space<hbm>>
      %dma_start3A_18 = arith.constant 0 : i32
      %dma_start3A_19 = tpu.memref_slice %arg10[%mul3A_10, %dma_start3A_18] : memref<10240x64xf32, #tpu.memory_space<vmem_shared>> -> memref<640x64xf32, #tpu.memory_space<vmem_shared>>
      tpu.enqueue_dma source(%dma_start3A_19 : memref<640x64xf32, #tpu.memory_space<vmem_shared>>) target(%dma_start3A_17 : memref<640x64xf32, #tpu.memory_space<hbm>>) target_semaphore(%run_scoped3A : memref<!tpu.dma_semaphore, #tpu.memory_space<semaphore_mem>>)
      %dma_wait3A = arith.constant 0 : i32
      %dma_wait3A_20 = arith.constant 0 : i32
      %dma_wait3A_21 = tpu.memref_slice %arg6[%arg0, %dma_wait3A, %dma_wait3A_20] : memref<2x10240x64xf32, #tpu.memory_space<hbm>> -> memref<1x10240x64xf32, #tpu.memory_space<hbm>>
      %dma_wait3A_22 = tpu.memref_squeeze %dma_wait3A_21 : memref<1x10240x64xf32, #tpu.memory_space<hbm>> -> memref<10240x64xf32, #tpu.memory_space<hbm>>
      %dma_wait3A_23 = arith.constant 0 : i32
      %dma_wait3A_24 = tpu.memref_slice %dma_wait3A_22[%mul3A_12, %dma_wait3A_23] : memref<10240x64xf32, #tpu.memory_space<hbm>> -> memref<640x64xf32, #tpu.memory_space<hbm>>
      %dma_wait3A_25 = arith.constant 0 : i32
      %dma_wait3A_26 = tpu.memref_slice %arg10[%mul3A_10, %dma_wait3A_25] : memref<10240x64xf32, #tpu.memory_space<vmem_shared>> -> memref<640x64xf32, #tpu.memory_space<vmem_shared>>
      tpu.wait_dma2 semaphore(%run_scoped3A : memref<!tpu.dma_semaphore, #tpu.memory_space<semaphore_mem>>) src(%dma_wait3A_26 : memref<640x64xf32, #tpu.memory_space<vmem_shared>>) dst(%dma_wait3A_24 : memref<640x64xf32, #tpu.memory_space<hbm>>)
      tpu.yield
    }) : () -> ()
    return
  }
}

#map = affine_map<(d0, d1) -> (0, 0, 0)>
#map1 = affine_map<(d0, d1) -> (0, 0)>
module attributes {stable_mosaic.version = 14 : i64} {
  func.func @_deg_body(%arg0: i32, %arg1: i32, %arg2: memref<32x80x128xi32, #tpu.memory_space<hbm>>, %arg3: memref<640x1xf32, #tpu.memory_space<hbm>>, %arg4: memref<128x1xf32, #tpu.memory_space<hbm>>, %arg5: memref<2x10240x1xf32, #tpu.memory_space<hbm>>, %arg6: memref<80x128xi32, #tpu.memory_space<vmem>>, %arg7: memref<128x1xf32, #tpu.memory_space<vmem>>, %arg8: memref<10240x1xf32, #tpu.memory_space<vmem_shared>>) attributes {dimension_semantics = [#tpu.dimension_semantics<core_parallel>, #tpu.dimension_semantics<subcore_parallel>], iteration_bounds = array<i64: 2, 16>, scalar_prefetch = 0 : i64, scratch_operands = 3 : i64, tpu.core_type = #tpu.core_type<sc_vector_subcore>, window_params = [{transform_indices = #map}, {transform_indices = #map1}, {transform_indices = #map1}, {transform_indices = #map}]} {
    %mul3A = arith.constant 16 : i32
    %mul3A_0 = arith.muli %arg0, %mul3A : i32
    %add3A = arith.addi %mul3A_0, %arg1 : i32
    "tpu.region"() ({
      %run_scoped3A = tpu.sem_alloc : memref<!tpu.dma_semaphore, #tpu.memory_space<semaphore_mem>>
      %dma_start3A = arith.constant 0 : i32
      %dma_start3A_13 = arith.constant 0 : i32
      %dma_start3A_14 = tpu.memref_slice %arg2[%add3A, %dma_start3A, %dma_start3A_13] : memref<32x80x128xi32, #tpu.memory_space<hbm>> -> memref<1x80x128xi32, #tpu.memory_space<hbm>>
      %dma_start3A_15 = tpu.memref_squeeze %dma_start3A_14 : memref<1x80x128xi32, #tpu.memory_space<hbm>> -> memref<80x128xi32, #tpu.memory_space<hbm>>
      %dma_start3A_16 = arith.constant 0 : i32
      %dma_start3A_17 = arith.constant 0 : i32
      %dma_start3A_18 = tpu.memref_slice %arg2[%add3A, %dma_start3A_16, %dma_start3A_17] : memref<32x80x128xi32, #tpu.memory_space<hbm>> -> memref<1x80x128xi32, #tpu.memory_space<hbm>>
      %dma_start3A_19 = tpu.memref_squeeze %dma_start3A_18 : memref<1x80x128xi32, #tpu.memory_space<hbm>> -> memref<80x128xi32, #tpu.memory_space<hbm>>
      tpu.enqueue_dma source(%dma_start3A_19 : memref<80x128xi32, #tpu.memory_space<hbm>>) target(%arg6 : memref<80x128xi32, #tpu.memory_space<vmem>>) target_semaphore(%run_scoped3A : memref<!tpu.dma_semaphore, #tpu.memory_space<semaphore_mem>>)
      %dma_wait3A = arith.constant 0 : i32
      %dma_wait3A_20 = arith.constant 0 : i32
      %dma_wait3A_21 = tpu.memref_slice %arg2[%add3A, %dma_wait3A, %dma_wait3A_20] : memref<32x80x128xi32, #tpu.memory_space<hbm>> -> memref<1x80x128xi32, #tpu.memory_space<hbm>>
      %dma_wait3A_22 = tpu.memref_squeeze %dma_wait3A_21 : memref<1x80x128xi32, #tpu.memory_space<hbm>> -> memref<80x128xi32, #tpu.memory_space<hbm>>
      %dma_wait3A_23 = arith.constant 0 : i32
      %dma_wait3A_24 = arith.constant 0 : i32
      %dma_wait3A_25 = tpu.memref_slice %arg2[%add3A, %dma_wait3A_23, %dma_wait3A_24] : memref<32x80x128xi32, #tpu.memory_space<hbm>> -> memref<1x80x128xi32, #tpu.memory_space<hbm>>
      %dma_wait3A_26 = tpu.memref_squeeze %dma_wait3A_25 : memref<1x80x128xi32, #tpu.memory_space<hbm>> -> memref<80x128xi32, #tpu.memory_space<hbm>>
      tpu.wait_dma2 semaphore(%run_scoped3A : memref<!tpu.dma_semaphore, #tpu.memory_space<semaphore_mem>>) src(%dma_wait3A_26 : memref<80x128xi32, #tpu.memory_space<hbm>>) dst(%arg6 : memref<80x128xi32, #tpu.memory_space<vmem>>)
      tpu.yield
    }) : () -> ()
    "tpu.region"() ({
      %run_scoped3A = tpu.sem_alloc : memref<!tpu.dma_semaphore, #tpu.memory_space<semaphore_mem>>
      tpu.enqueue_dma source(%arg4 : memref<128x1xf32, #tpu.memory_space<hbm>>) target(%arg7 : memref<128x1xf32, #tpu.memory_space<vmem>>) target_semaphore(%run_scoped3A : memref<!tpu.dma_semaphore, #tpu.memory_space<semaphore_mem>>)
      tpu.wait_dma2 semaphore(%run_scoped3A : memref<!tpu.dma_semaphore, #tpu.memory_space<semaphore_mem>>) src(%arg4 : memref<128x1xf32, #tpu.memory_space<hbm>>) dst(%arg7 : memref<128x1xf32, #tpu.memory_space<vmem>>)
      tpu.yield
    }) : () -> ()
    %mul3A_1 = arith.constant 640 : i32
    %mul3A_2 = arith.muli %arg1, %mul3A_1 : i32
    "tpu.region"() ({
      %run_scoped3A = tpu.sem_alloc : memref<!tpu.dma_semaphore, #tpu.memory_space<semaphore_mem>>
      %dma_start3A = arith.constant 0 : i32
      %dma_start3A_13 = tpu.memref_slice %arg8[%mul3A_2, %dma_start3A] : memref<10240x1xf32, #tpu.memory_space<vmem_shared>> -> memref<640x1xf32, #tpu.memory_space<vmem_shared>>
      tpu.enqueue_dma source(%arg3 : memref<640x1xf32, #tpu.memory_space<hbm>>) target(%dma_start3A_13 : memref<640x1xf32, #tpu.memory_space<vmem_shared>>) target_semaphore(%run_scoped3A : memref<!tpu.dma_semaphore, #tpu.memory_space<semaphore_mem>>)
      %dma_wait3A = arith.constant 0 : i32
      %dma_wait3A_14 = tpu.memref_slice %arg8[%mul3A_2, %dma_wait3A] : memref<10240x1xf32, #tpu.memory_space<vmem_shared>> -> memref<640x1xf32, #tpu.memory_space<vmem_shared>>
      tpu.wait_dma2 semaphore(%run_scoped3A : memref<!tpu.dma_semaphore, #tpu.memory_space<semaphore_mem>>) src(%arg3 : memref<640x1xf32, #tpu.memory_space<hbm>>) dst(%dma_wait3A_14 : memref<640x1xf32, #tpu.memory_space<vmem_shared>>)
      tpu.yield
    }) : () -> ()
    %barrier3A = arith.constant 0 : index
    tpu.barrier barrier_id(%barrier3A)
    %scan3A = arith.constant 0 : i32
    %scan3A_3 = arith.constant 0 : i32
    %scan3A_4 = arith.constant 80 : i32
    %scan3A_5 = arith.addi %scan3A_3, %scan3A_4 : i32
    %scan3A_6 = arith.constant 1 : i32
    scf.for %scan3A_13 = %scan3A_3 to %scan3A_5 step %scan3A_6  : i32 {
      "tpu.region"() ({
        %run_scoped3A = tpu.sem_alloc : memref<!tpu.dma_semaphore, #tpu.memory_space<semaphore_mem>>
        %dma_start3A = arith.constant 0 : i32
        %dma_start3A_14 = tpu.memref_slice %arg6[%scan3A_13, %dma_start3A] : memref<80x128xi32, #tpu.memory_space<vmem>> -> memref<1x128xi32, #tpu.memory_space<vmem>>
        %dma_start3A_15 = tpu.memref_squeeze %dma_start3A_14 : memref<1x128xi32, #tpu.memory_space<vmem>> -> memref<128xi32, #tpu.memory_space<vmem>>
        %dma_start3A_16 = arith.constant 0 : i32
        %dma_start3A_17 = arith.constant 0 : i32
        %dma_start3A_18 = tpu.memref_slice %arg8[%dma_start3A_16, %dma_start3A_17] : memref<10240x1xf32, #tpu.memory_space<vmem_shared>> -> memref<10240x1xf32, #tpu.memory_space<vmem_shared>>
        tpu.enqueue_indirect_dma source(%arg7 : memref<128x1xf32, #tpu.memory_space<vmem>>) target(%dma_start3A_18 : memref<10240x1xf32, #tpu.memory_space<vmem_shared>>) offsets(%dma_start3A_15 : memref<128xi32, #tpu.memory_space<vmem>>) semaphore(%run_scoped3A : memref<!tpu.dma_semaphore, #tpu.memory_space<semaphore_mem>>) {add = true}
        %dma_wait3A = arith.constant 0 : i32
        %dma_wait3A_19 = tpu.memref_slice %arg6[%scan3A_13, %dma_wait3A] : memref<80x128xi32, #tpu.memory_space<vmem>> -> memref<1x128xi32, #tpu.memory_space<vmem>>
        %dma_wait3A_20 = tpu.memref_squeeze %dma_wait3A_19 : memref<1x128xi32, #tpu.memory_space<vmem>> -> memref<128xi32, #tpu.memory_space<vmem>>
        %dma_wait3A_21 = arith.constant 0 : i32
        %dma_wait3A_22 = arith.constant 0 : i32
        %dma_wait3A_23 = tpu.memref_slice %arg8[%dma_wait3A_21, %dma_wait3A_22] : memref<10240x1xf32, #tpu.memory_space<vmem_shared>> -> memref<10240x1xf32, #tpu.memory_space<vmem_shared>>
        tpu.wait_indirect_dma semaphore(%run_scoped3A : memref<!tpu.dma_semaphore, #tpu.memory_space<semaphore_mem>>) src(%arg7 : memref<128x1xf32, #tpu.memory_space<vmem>>) dst(%dma_wait3A_23 : memref<10240x1xf32, #tpu.memory_space<vmem_shared>>)
        tpu.yield
      }) : () -> ()
    }
    %scan3A_7 = arith.constant 80 : i32
    %barrier3A_8 = arith.constant 0 : index
    tpu.barrier barrier_id(%barrier3A_8)
    %mul3A_9 = arith.constant 640 : i32
    %mul3A_10 = arith.muli %arg1, %mul3A_9 : i32
    %mul3A_11 = arith.constant 640 : i32
    %mul3A_12 = arith.muli %arg1, %mul3A_11 : i32
    "tpu.region"() ({
      %run_scoped3A = tpu.sem_alloc : memref<!tpu.dma_semaphore, #tpu.memory_space<semaphore_mem>>
      %dma_start3A = arith.constant 0 : i32
      %dma_start3A_13 = arith.constant 0 : i32
      %dma_start3A_14 = tpu.memref_slice %arg5[%arg0, %dma_start3A, %dma_start3A_13] : memref<2x10240x1xf32, #tpu.memory_space<hbm>> -> memref<1x10240x1xf32, #tpu.memory_space<hbm>>
      %dma_start3A_15 = tpu.memref_squeeze %dma_start3A_14 : memref<1x10240x1xf32, #tpu.memory_space<hbm>> -> memref<10240x1xf32, #tpu.memory_space<hbm>>
      %dma_start3A_16 = arith.constant 0 : i32
      %dma_start3A_17 = tpu.memref_slice %dma_start3A_15[%mul3A_12, %dma_start3A_16] : memref<10240x1xf32, #tpu.memory_space<hbm>> -> memref<640x1xf32, #tpu.memory_space<hbm>>
      %dma_start3A_18 = arith.constant 0 : i32
      %dma_start3A_19 = tpu.memref_slice %arg8[%mul3A_10, %dma_start3A_18] : memref<10240x1xf32, #tpu.memory_space<vmem_shared>> -> memref<640x1xf32, #tpu.memory_space<vmem_shared>>
      tpu.enqueue_dma source(%dma_start3A_19 : memref<640x1xf32, #tpu.memory_space<vmem_shared>>) target(%dma_start3A_17 : memref<640x1xf32, #tpu.memory_space<hbm>>) target_semaphore(%run_scoped3A : memref<!tpu.dma_semaphore, #tpu.memory_space<semaphore_mem>>)
      %dma_wait3A = arith.constant 0 : i32
      %dma_wait3A_20 = arith.constant 0 : i32
      %dma_wait3A_21 = tpu.memref_slice %arg5[%arg0, %dma_wait3A, %dma_wait3A_20] : memref<2x10240x1xf32, #tpu.memory_space<hbm>> -> memref<1x10240x1xf32, #tpu.memory_space<hbm>>
      %dma_wait3A_22 = tpu.memref_squeeze %dma_wait3A_21 : memref<1x10240x1xf32, #tpu.memory_space<hbm>> -> memref<10240x1xf32, #tpu.memory_space<hbm>>
      %dma_wait3A_23 = arith.constant 0 : i32
      %dma_wait3A_24 = tpu.memref_slice %dma_wait3A_22[%mul3A_12, %dma_wait3A_23] : memref<10240x1xf32, #tpu.memory_space<hbm>> -> memref<640x1xf32, #tpu.memory_space<hbm>>
      %dma_wait3A_25 = arith.constant 0 : i32
      %dma_wait3A_26 = tpu.memref_slice %arg8[%mul3A_10, %dma_wait3A_25] : memref<10240x1xf32, #tpu.memory_space<vmem_shared>> -> memref<640x1xf32, #tpu.memory_space<vmem_shared>>
      tpu.wait_dma2 semaphore(%run_scoped3A : memref<!tpu.dma_semaphore, #tpu.memory_space<semaphore_mem>>) src(%dma_wait3A_26 : memref<640x1xf32, #tpu.memory_space<vmem_shared>>) dst(%dma_wait3A_24 : memref<640x1xf32, #tpu.memory_space<hbm>>)
      tpu.yield
    }) : () -> ()
    return
  }
}

#map = affine_map<(d0, d1) -> (0, 0)>
#map1 = affine_map<(d0, d1) -> (0, 0, 0)>
module attributes {stable_mosaic.version = 14 : i64} {
  func.func @_agg_body(%arg0: i32, %arg1: i32, %arg2: memref<10000x40xf32, #tpu.memory_space<hbm>>, %arg3: memref<32x80x128xi32, #tpu.memory_space<hbm>>, %arg4: memref<32x80x128xi32, #tpu.memory_space<hbm>>, %arg5: memref<640x40xf32, #tpu.memory_space<hbm>>, %arg6: memref<2x10240x40xf32, #tpu.memory_space<hbm>>, %arg7: memref<80x128xi32, #tpu.memory_space<vmem>>, %arg8: memref<80x128xi32, #tpu.memory_space<vmem>>, %arg9: memref<128x40xf32, #tpu.memory_space<vmem>>, %arg10: memref<10240x40xf32, #tpu.memory_space<vmem_shared>>, %arg11: memref<!tpu.dma_semaphore, #tpu.memory_space<semaphore_mem>>) attributes {dimension_semantics = [#tpu.dimension_semantics<core_parallel>, #tpu.dimension_semantics<subcore_parallel>], iteration_bounds = array<i64: 2, 16>, scalar_prefetch = 0 : i64, scratch_operands = 5 : i64, tpu.core_type = #tpu.core_type<sc_vector_subcore>, window_params = [{transform_indices = #map}, {transform_indices = #map1}, {transform_indices = #map1}, {transform_indices = #map}, {transform_indices = #map1}]} {
    %mul3A = arith.constant 16 : i32
    %mul3A_0 = arith.muli %arg0, %mul3A : i32
    %add3A = arith.addi %mul3A_0, %arg1 : i32
    "tpu.region"() ({
      %run_scoped3A = tpu.sem_alloc : memref<!tpu.dma_semaphore, #tpu.memory_space<semaphore_mem>>
      %dma_start3A = arith.constant 0 : i32
      %dma_start3A_13 = arith.constant 0 : i32
      %dma_start3A_14 = tpu.memref_slice %arg3[%add3A, %dma_start3A, %dma_start3A_13] : memref<32x80x128xi32, #tpu.memory_space<hbm>> -> memref<1x80x128xi32, #tpu.memory_space<hbm>>
      %dma_start3A_15 = tpu.memref_squeeze %dma_start3A_14 : memref<1x80x128xi32, #tpu.memory_space<hbm>> -> memref<80x128xi32, #tpu.memory_space<hbm>>
      %dma_start3A_16 = arith.constant 0 : i32
      %dma_start3A_17 = arith.constant 0 : i32
      %dma_start3A_18 = tpu.memref_slice %arg3[%add3A, %dma_start3A_16, %dma_start3A_17] : memref<32x80x128xi32, #tpu.memory_space<hbm>> -> memref<1x80x128xi32, #tpu.memory_space<hbm>>
      %dma_start3A_19 = tpu.memref_squeeze %dma_start3A_18 : memref<1x80x128xi32, #tpu.memory_space<hbm>> -> memref<80x128xi32, #tpu.memory_space<hbm>>
      tpu.enqueue_dma source(%dma_start3A_19 : memref<80x128xi32, #tpu.memory_space<hbm>>) target(%arg7 : memref<80x128xi32, #tpu.memory_space<vmem>>) target_semaphore(%run_scoped3A : memref<!tpu.dma_semaphore, #tpu.memory_space<semaphore_mem>>)
      %dma_wait3A = arith.constant 0 : i32
      %dma_wait3A_20 = arith.constant 0 : i32
      %dma_wait3A_21 = tpu.memref_slice %arg3[%add3A, %dma_wait3A, %dma_wait3A_20] : memref<32x80x128xi32, #tpu.memory_space<hbm>> -> memref<1x80x128xi32, #tpu.memory_space<hbm>>
      %dma_wait3A_22 = tpu.memref_squeeze %dma_wait3A_21 : memref<1x80x128xi32, #tpu.memory_space<hbm>> -> memref<80x128xi32, #tpu.memory_space<hbm>>
      %dma_wait3A_23 = arith.constant 0 : i32
      %dma_wait3A_24 = arith.constant 0 : i32
      %dma_wait3A_25 = tpu.memref_slice %arg3[%add3A, %dma_wait3A_23, %dma_wait3A_24] : memref<32x80x128xi32, #tpu.memory_space<hbm>> -> memref<1x80x128xi32, #tpu.memory_space<hbm>>
      %dma_wait3A_26 = tpu.memref_squeeze %dma_wait3A_25 : memref<1x80x128xi32, #tpu.memory_space<hbm>> -> memref<80x128xi32, #tpu.memory_space<hbm>>
      tpu.wait_dma2 semaphore(%run_scoped3A : memref<!tpu.dma_semaphore, #tpu.memory_space<semaphore_mem>>) src(%dma_wait3A_26 : memref<80x128xi32, #tpu.memory_space<hbm>>) dst(%arg7 : memref<80x128xi32, #tpu.memory_space<vmem>>)
      tpu.yield
    }) : () -> ()
    "tpu.region"() ({
      %run_scoped3A = tpu.sem_alloc : memref<!tpu.dma_semaphore, #tpu.memory_space<semaphore_mem>>
      %dma_start3A = arith.constant 0 : i32
      %dma_start3A_13 = arith.constant 0 : i32
      %dma_start3A_14 = tpu.memref_slice %arg4[%add3A, %dma_start3A, %dma_start3A_13] : memref<32x80x128xi32, #tpu.memory_space<hbm>> -> memref<1x80x128xi32, #tpu.memory_space<hbm>>
      %dma_start3A_15 = tpu.memref_squeeze %dma_start3A_14 : memref<1x80x128xi32, #tpu.memory_space<hbm>> -> memref<80x128xi32, #tpu.memory_space<hbm>>
      %dma_start3A_16 = arith.constant 0 : i32
      %dma_start3A_17 = arith.constant 0 : i32
      %dma_start3A_18 = tpu.memref_slice %arg4[%add3A, %dma_start3A_16, %dma_start3A_17] : memref<32x80x128xi32, #tpu.memory_space<hbm>> -> memref<1x80x128xi32, #tpu.memory_space<hbm>>
      %dma_start3A_19 = tpu.memref_squeeze %dma_start3A_18 : memref<1x80x128xi32, #tpu.memory_space<hbm>> -> memref<80x128xi32, #tpu.memory_space<hbm>>
      tpu.enqueue_dma source(%dma_start3A_19 : memref<80x128xi32, #tpu.memory_space<hbm>>) target(%arg8 : memref<80x128xi32, #tpu.memory_space<vmem>>) target_semaphore(%run_scoped3A : memref<!tpu.dma_semaphore, #tpu.memory_space<semaphore_mem>>)
      %dma_wait3A = arith.constant 0 : i32
      %dma_wait3A_20 = arith.constant 0 : i32
      %dma_wait3A_21 = tpu.memref_slice %arg4[%add3A, %dma_wait3A, %dma_wait3A_20] : memref<32x80x128xi32, #tpu.memory_space<hbm>> -> memref<1x80x128xi32, #tpu.memory_space<hbm>>
      %dma_wait3A_22 = tpu.memref_squeeze %dma_wait3A_21 : memref<1x80x128xi32, #tpu.memory_space<hbm>> -> memref<80x128xi32, #tpu.memory_space<hbm>>
      %dma_wait3A_23 = arith.constant 0 : i32
      %dma_wait3A_24 = arith.constant 0 : i32
      %dma_wait3A_25 = tpu.memref_slice %arg4[%add3A, %dma_wait3A_23, %dma_wait3A_24] : memref<32x80x128xi32, #tpu.memory_space<hbm>> -> memref<1x80x128xi32, #tpu.memory_space<hbm>>
      %dma_wait3A_26 = tpu.memref_squeeze %dma_wait3A_25 : memref<1x80x128xi32, #tpu.memory_space<hbm>> -> memref<80x128xi32, #tpu.memory_space<hbm>>
      tpu.wait_dma2 semaphore(%run_scoped3A : memref<!tpu.dma_semaphore, #tpu.memory_space<semaphore_mem>>) src(%dma_wait3A_26 : memref<80x128xi32, #tpu.memory_space<hbm>>) dst(%arg8 : memref<80x128xi32, #tpu.memory_space<vmem>>)
      tpu.yield
    }) : () -> ()
    %mul3A_1 = arith.constant 640 : i32
    %mul3A_2 = arith.muli %arg1, %mul3A_1 : i32
    "tpu.region"() ({
      %run_scoped3A = tpu.sem_alloc : memref<!tpu.dma_semaphore, #tpu.memory_space<semaphore_mem>>
      %dma_start3A = arith.constant 0 : i32
      %dma_start3A_13 = tpu.memref_slice %arg10[%mul3A_2, %dma_start3A] : memref<10240x40xf32, #tpu.memory_space<vmem_shared>> -> memref<640x40xf32, #tpu.memory_space<vmem_shared>>
      tpu.enqueue_dma source(%arg5 : memref<640x40xf32, #tpu.memory_space<hbm>>) target(%dma_start3A_13 : memref<640x40xf32, #tpu.memory_space<vmem_shared>>) target_semaphore(%run_scoped3A : memref<!tpu.dma_semaphore, #tpu.memory_space<semaphore_mem>>)
      %dma_wait3A = arith.constant 0 : i32
      %dma_wait3A_14 = tpu.memref_slice %arg10[%mul3A_2, %dma_wait3A] : memref<10240x40xf32, #tpu.memory_space<vmem_shared>> -> memref<640x40xf32, #tpu.memory_space<vmem_shared>>
      tpu.wait_dma2 semaphore(%run_scoped3A : memref<!tpu.dma_semaphore, #tpu.memory_space<semaphore_mem>>) src(%arg5 : memref<640x40xf32, #tpu.memory_space<hbm>>) dst(%dma_wait3A_14 : memref<640x40xf32, #tpu.memory_space<vmem_shared>>)
      tpu.yield
    }) : () -> ()
    %barrier3A = arith.constant 0 : index
    tpu.barrier barrier_id(%barrier3A)
    %scan3A = arith.constant 0 : i32
    %scan3A_3 = arith.constant 0 : i32
    %scan3A_4 = arith.constant 80 : i32
    %scan3A_5 = arith.addi %scan3A_3, %scan3A_4 : i32
    %scan3A_6 = arith.constant 1 : i32
    scf.for %scan3A_13 = %scan3A_3 to %scan3A_5 step %scan3A_6  : i32 {
      %dma_start3A = arith.constant 0 : i32
      %dma_start3A_14 = tpu.memref_slice %arg7[%scan3A_13, %dma_start3A] : memref<80x128xi32, #tpu.memory_space<vmem>> -> memref<1x128xi32, #tpu.memory_space<vmem>>
      %dma_start3A_15 = tpu.memref_squeeze %dma_start3A_14 : memref<1x128xi32, #tpu.memory_space<vmem>> -> memref<128xi32, #tpu.memory_space<vmem>>
      %dma_start3A_16 = arith.constant 0 : i32
      %dma_start3A_17 = arith.constant 0 : i32
      %dma_start3A_18 = tpu.memref_slice %arg2[%dma_start3A_16, %dma_start3A_17] : memref<10000x40xf32, #tpu.memory_space<hbm>> -> memref<10000x40xf32, #tpu.memory_space<hbm>>
      tpu.enqueue_indirect_dma source(%dma_start3A_18 : memref<10000x40xf32, #tpu.memory_space<hbm>>) target(%arg9 : memref<128x40xf32, #tpu.memory_space<vmem>>) offsets(%dma_start3A_15 : memref<128xi32, #tpu.memory_space<vmem>>) semaphore(%arg11 : memref<!tpu.dma_semaphore, #tpu.memory_space<semaphore_mem>>)
      %dma_wait3A = arith.constant 0 : i32
      %dma_wait3A_19 = tpu.memref_slice %arg7[%scan3A_13, %dma_wait3A] : memref<80x128xi32, #tpu.memory_space<vmem>> -> memref<1x128xi32, #tpu.memory_space<vmem>>
      %dma_wait3A_20 = tpu.memref_squeeze %dma_wait3A_19 : memref<1x128xi32, #tpu.memory_space<vmem>> -> memref<128xi32, #tpu.memory_space<vmem>>
      %dma_wait3A_21 = arith.constant 0 : i32
      %dma_wait3A_22 = arith.constant 0 : i32
      %dma_wait3A_23 = tpu.memref_slice %arg2[%dma_wait3A_21, %dma_wait3A_22] : memref<10000x40xf32, #tpu.memory_space<hbm>> -> memref<10000x40xf32, #tpu.memory_space<hbm>>
      tpu.wait_indirect_dma semaphore(%arg11 : memref<!tpu.dma_semaphore, #tpu.memory_space<semaphore_mem>>) src(%dma_wait3A_23 : memref<10000x40xf32, #tpu.memory_space<hbm>>) dst(%arg9 : memref<128x40xf32, #tpu.memory_space<vmem>>)
      "tpu.region"() ({
        %run_scoped3A = tpu.sem_alloc : memref<!tpu.dma_semaphore, #tpu.memory_space<semaphore_mem>>
        %dma_start3A_24 = arith.constant 0 : i32
        %dma_start3A_25 = tpu.memref_slice %arg8[%scan3A_13, %dma_start3A_24] : memref<80x128xi32, #tpu.memory_space<vmem>> -> memref<1x128xi32, #tpu.memory_space<vmem>>
        %dma_start3A_26 = tpu.memref_squeeze %dma_start3A_25 : memref<1x128xi32, #tpu.memory_space<vmem>> -> memref<128xi32, #tpu.memory_space<vmem>>
        %dma_start3A_27 = arith.constant 0 : i32
        %dma_start3A_28 = arith.constant 0 : i32
        %dma_start3A_29 = tpu.memref_slice %arg10[%dma_start3A_27, %dma_start3A_28] : memref<10240x40xf32, #tpu.memory_space<vmem_shared>> -> memref<10240x40xf32, #tpu.memory_space<vmem_shared>>
        tpu.enqueue_indirect_dma source(%arg9 : memref<128x40xf32, #tpu.memory_space<vmem>>) target(%dma_start3A_29 : memref<10240x40xf32, #tpu.memory_space<vmem_shared>>) offsets(%dma_start3A_26 : memref<128xi32, #tpu.memory_space<vmem>>) semaphore(%run_scoped3A : memref<!tpu.dma_semaphore, #tpu.memory_space<semaphore_mem>>) {add = true}
        %dma_wait3A_30 = arith.constant 0 : i32
        %dma_wait3A_31 = tpu.memref_slice %arg8[%scan3A_13, %dma_wait3A_30] : memref<80x128xi32, #tpu.memory_space<vmem>> -> memref<1x128xi32, #tpu.memory_space<vmem>>
        %dma_wait3A_32 = tpu.memref_squeeze %dma_wait3A_31 : memref<1x128xi32, #tpu.memory_space<vmem>> -> memref<128xi32, #tpu.memory_space<vmem>>
        %dma_wait3A_33 = arith.constant 0 : i32
        %dma_wait3A_34 = arith.constant 0 : i32
        %dma_wait3A_35 = tpu.memref_slice %arg10[%dma_wait3A_33, %dma_wait3A_34] : memref<10240x40xf32, #tpu.memory_space<vmem_shared>> -> memref<10240x40xf32, #tpu.memory_space<vmem_shared>>
        tpu.wait_indirect_dma semaphore(%run_scoped3A : memref<!tpu.dma_semaphore, #tpu.memory_space<semaphore_mem>>) src(%arg9 : memref<128x40xf32, #tpu.memory_space<vmem>>) dst(%dma_wait3A_35 : memref<10240x40xf32, #tpu.memory_space<vmem_shared>>)
        tpu.yield
      }) : () -> ()
    }
    %scan3A_7 = arith.constant 80 : i32
    %barrier3A_8 = arith.constant 0 : index
    tpu.barrier barrier_id(%barrier3A_8)
    %mul3A_9 = arith.constant 640 : i32
    %mul3A_10 = arith.muli %arg1, %mul3A_9 : i32
    %mul3A_11 = arith.constant 640 : i32
    %mul3A_12 = arith.muli %arg1, %mul3A_11 : i32
    "tpu.region"() ({
      %run_scoped3A = tpu.sem_alloc : memref<!tpu.dma_semaphore, #tpu.memory_space<semaphore_mem>>
      %dma_start3A = arith.constant 0 : i32
      %dma_start3A_13 = arith.constant 0 : i32
      %dma_start3A_14 = tpu.memref_slice %arg6[%arg0, %dma_start3A, %dma_start3A_13] : memref<2x10240x40xf32, #tpu.memory_space<hbm>> -> memref<1x10240x40xf32, #tpu.memory_space<hbm>>
      %dma_start3A_15 = tpu.memref_squeeze %dma_start3A_14 : memref<1x10240x40xf32, #tpu.memory_space<hbm>> -> memref<10240x40xf32, #tpu.memory_space<hbm>>
      %dma_start3A_16 = arith.constant 0 : i32
      %dma_start3A_17 = tpu.memref_slice %dma_start3A_15[%mul3A_12, %dma_start3A_16] : memref<10240x40xf32, #tpu.memory_space<hbm>> -> memref<640x40xf32, #tpu.memory_space<hbm>>
      %dma_start3A_18 = arith.constant 0 : i32
      %dma_start3A_19 = tpu.memref_slice %arg10[%mul3A_10, %dma_start3A_18] : memref<10240x40xf32, #tpu.memory_space<vmem_shared>> -> memref<640x40xf32, #tpu.memory_space<vmem_shared>>
      tpu.enqueue_dma source(%dma_start3A_19 : memref<640x40xf32, #tpu.memory_space<vmem_shared>>) target(%dma_start3A_17 : memref<640x40xf32, #tpu.memory_space<hbm>>) target_semaphore(%run_scoped3A : memref<!tpu.dma_semaphore, #tpu.memory_space<semaphore_mem>>)
      %dma_wait3A = arith.constant 0 : i32
      %dma_wait3A_20 = arith.constant 0 : i32
      %dma_wait3A_21 = tpu.memref_slice %arg6[%arg0, %dma_wait3A, %dma_wait3A_20] : memref<2x10240x40xf32, #tpu.memory_space<hbm>> -> memref<1x10240x40xf32, #tpu.memory_space<hbm>>
      %dma_wait3A_22 = tpu.memref_squeeze %dma_wait3A_21 : memref<1x10240x40xf32, #tpu.memory_space<hbm>> -> memref<10240x40xf32, #tpu.memory_space<hbm>>
      %dma_wait3A_23 = arith.constant 0 : i32
      %dma_wait3A_24 = tpu.memref_slice %dma_wait3A_22[%mul3A_12, %dma_wait3A_23] : memref<10240x40xf32, #tpu.memory_space<hbm>> -> memref<640x40xf32, #tpu.memory_space<hbm>>
      %dma_wait3A_25 = arith.constant 0 : i32
      %dma_wait3A_26 = tpu.memref_slice %arg10[%mul3A_10, %dma_wait3A_25] : memref<10240x40xf32, #tpu.memory_space<vmem_shared>> -> memref<640x40xf32, #tpu.memory_space<vmem_shared>>
      tpu.wait_dma2 semaphore(%run_scoped3A : memref<!tpu.dma_semaphore, #tpu.memory_space<semaphore_mem>>) src(%dma_wait3A_26 : memref<640x40xf32, #tpu.memory_space<vmem_shared>>) dst(%dma_wait3A_24 : memref<640x40xf32, #tpu.memory_space<hbm>>)
      tpu.yield
    }) : () -> ()
    return
  }
}

module attributes {stable_mosaic.version = 14 : i64} {
  func.func @_tc1_body(%arg0: memref<2x10240x1xf32, #tpu.memory_space<vmem>>, %arg1: memref<10000x128xf32, #tpu.memory_space<vmem>>, %arg2: memref<128x64xf32, #tpu.memory_space<vmem>>, %arg3: memref<10000x64xf32, #tpu.memory_space<vmem>>) attributes {dimension_semantics = [], scalar_prefetch = 0 : i64, scratch_operands = 0 : i64, tpu.core_type = #tpu.core_type<tc>} {
    %get3A = arith.constant 0 : index
    %get3A_0 = arith.constant 0 : index
    %get3A_1 = arith.constant 0 : index
    %get3A_2 = vector.load %arg0[%get3A, %get3A_0, %get3A_1] : memref<2x10240x1xf32, #tpu.memory_space<vmem>>, vector<1x10000x1xf32>
    %get3A_3 = vector.shape_cast %get3A_2 : vector<1x10000x1xf32> to vector<10000x1xf32>
    %get3A_4 = arith.constant 1 : index
    %get3A_5 = arith.constant 0 : index
    %get3A_6 = arith.constant 0 : index
    %get3A_7 = vector.load %arg0[%get3A_4, %get3A_5, %get3A_6] : memref<2x10240x1xf32, #tpu.memory_space<vmem>>, vector<1x10000x1xf32>
    %get3A_8 = vector.shape_cast %get3A_7 : vector<1x10000x1xf32> to vector<10000x1xf32>
    %add3A = arith.addf %get3A_3, %get3A_8 : vector<10000x1xf32>
    %add3A_9 = arith.constant 1.000000e+00 : f32
    %add3A_10 = vector.broadcast %add3A_9 : f32 to vector<10000x1xf32>
    %add3A_11 = arith.addf %add3A, %add3A_10 : vector<10000x1xf32>
    %rsqrt3A = math.rsqrt %add3A_11 : vector<10000x1xf32>
    %get3A_12 = arith.constant 0 : index
    %get3A_13 = arith.constant 0 : index
    %get3A_14 = vector.load %arg1[%get3A_12, %get3A_13] : memref<10000x128xf32, #tpu.memory_space<vmem>>, vector<10000x128xf32>
    %get3A_15 = arith.constant 0 : index
    %get3A_16 = arith.constant 0 : index
    %get3A_17 = vector.load %arg2[%get3A_15, %get3A_16] : memref<128x64xf32, #tpu.memory_space<vmem>>, vector<128x64xf32>
    %dot_general3A = arith.constant dense<0.000000e+00> : vector<10000x64xf32>
    %dot_general3A_18 = tpu.matmul %get3A_14, %get3A_17, %dot_general3A {dimension_numbers = #tpu.dot_dimension_numbers<[1], [0], [0], [1], [0, 0, 1, 1], [], []>, transpose_lhs_hint = false} : vector<10000x128xf32>, vector<128x64xf32>, vector<10000x64xf32> -> vector<10000x64xf32>
    %mul3A = vector.broadcast %rsqrt3A : vector<10000x1xf32> to vector<10000x64xf32>
    %mul3A_19 = arith.mulf %dot_general3A_18, %mul3A : vector<10000x64xf32>
    %swap3A = arith.constant 0 : index
    %swap3A_20 = arith.constant 0 : index
    %swap3A_21 = vector.load %arg3[%swap3A, %swap3A_20] : memref<10000x64xf32, #tpu.memory_space<vmem>>, vector<10000x64xf32>
    tpu.vector_store %arg3[%swap3A, %swap3A_20], %mul3A_19 {strides = array<i32>} : memref<10000x64xf32, #tpu.memory_space<vmem>>, vector<10000x64xf32>,
    return
  }
}

module attributes {stable_mosaic.version = 14 : i64} {
  func.func @_tc2_body(%arg0: memref<2x10240x1xf32, #tpu.memory_space<vmem>>, %arg1: memref<2x10240x64xf32, #tpu.memory_space<vmem>>, %arg2: memref<10000x64xf32, #tpu.memory_space<vmem>>, %arg3: memref<1x64xf32, #tpu.memory_space<vmem>>, %arg4: memref<64x32xf32, #tpu.memory_space<vmem>>, %arg5: memref<10000x32xf32, #tpu.memory_space<vmem>>) attributes {dimension_semantics = [], scalar_prefetch = 0 : i64, scratch_operands = 0 : i64, tpu.core_type = #tpu.core_type<tc>} {
    %get3A = arith.constant 0 : index
    %get3A_0 = arith.constant 0 : index
    %get3A_1 = arith.constant 0 : index
    %get3A_2 = vector.load %arg0[%get3A, %get3A_0, %get3A_1] : memref<2x10240x1xf32, #tpu.memory_space<vmem>>, vector<1x10000x1xf32>
    %get3A_3 = vector.shape_cast %get3A_2 : vector<1x10000x1xf32> to vector<10000x1xf32>
    %get3A_4 = arith.constant 1 : index
    %get3A_5 = arith.constant 0 : index
    %get3A_6 = arith.constant 0 : index
    %get3A_7 = vector.load %arg0[%get3A_4, %get3A_5, %get3A_6] : memref<2x10240x1xf32, #tpu.memory_space<vmem>>, vector<1x10000x1xf32>
    %get3A_8 = vector.shape_cast %get3A_7 : vector<1x10000x1xf32> to vector<10000x1xf32>
    %add3A = arith.addf %get3A_3, %get3A_8 : vector<10000x1xf32>
    %add3A_9 = arith.constant 1.000000e+00 : f32
    %add3A_10 = vector.broadcast %add3A_9 : f32 to vector<10000x1xf32>
    %add3A_11 = arith.addf %add3A, %add3A_10 : vector<10000x1xf32>
    %rsqrt3A = math.rsqrt %add3A_11 : vector<10000x1xf32>
    %get3A_12 = arith.constant 0 : index
    %get3A_13 = arith.constant 0 : index
    %get3A_14 = arith.constant 0 : index
    %get3A_15 = vector.load %arg1[%get3A_12, %get3A_13, %get3A_14] : memref<2x10240x64xf32, #tpu.memory_space<vmem>>, vector<1x10000x64xf32>
    %get3A_16 = vector.shape_cast %get3A_15 : vector<1x10000x64xf32> to vector<10000x64xf32>
    %get3A_17 = arith.constant 1 : index
    %get3A_18 = arith.constant 0 : index
    %get3A_19 = arith.constant 0 : index
    %get3A_20 = vector.load %arg1[%get3A_17, %get3A_18, %get3A_19] : memref<2x10240x64xf32, #tpu.memory_space<vmem>>, vector<1x10000x64xf32>
    %get3A_21 = vector.shape_cast %get3A_20 : vector<1x10000x64xf32> to vector<10000x64xf32>
    %add3A_22 = arith.addf %get3A_16, %get3A_21 : vector<10000x64xf32>
    %get3A_23 = arith.constant 0 : index
    %get3A_24 = arith.constant 0 : index
    %get3A_25 = vector.load %arg2[%get3A_23, %get3A_24] : memref<10000x64xf32, #tpu.memory_space<vmem>>, vector<10000x64xf32>
    %add3A_26 = arith.addf %add3A_22, %get3A_25 : vector<10000x64xf32>
    %mul3A = vector.broadcast %rsqrt3A : vector<10000x1xf32> to vector<10000x64xf32>
    %mul3A_27 = arith.mulf %mul3A, %add3A_26 : vector<10000x64xf32>
    %get3A_28 = arith.constant 0 : index
    %get3A_29 = arith.constant 0 : index
    %get3A_30 = vector.load %arg3[%get3A_28, %get3A_29] : memref<1x64xf32, #tpu.memory_space<vmem>>, vector<1x64xf32>
    %add3A_31 = vector.broadcast %get3A_30 : vector<1x64xf32> to vector<10000x64xf32>
    %add3A_32 = arith.addf %mul3A_27, %add3A_31 : vector<10000x64xf32>
    %tanh3A = math.tanh %add3A_32 : vector<10000x64xf32>
    %get3A_33 = arith.constant 0 : index
    %get3A_34 = arith.constant 0 : index
    %get3A_35 = vector.load %arg4[%get3A_33, %get3A_34] : memref<64x32xf32, #tpu.memory_space<vmem>>, vector<64x32xf32>
    %dot_general3A = arith.constant dense<0.000000e+00> : vector<10000x32xf32>
    %dot_general3A_36 = tpu.matmul %tanh3A, %get3A_35, %dot_general3A {dimension_numbers = #tpu.dot_dimension_numbers<[1], [0], [0], [1], [0, 0, 1, 1], [], []>, transpose_lhs_hint = false} : vector<10000x64xf32>, vector<64x32xf32>, vector<10000x32xf32> -> vector<10000x32xf32>
    %mul3A_37 = vector.broadcast %rsqrt3A : vector<10000x1xf32> to vector<10000x32xf32>
    %mul3A_38 = arith.mulf %dot_general3A_36, %mul3A_37 : vector<10000x32xf32>
    %swap3A = arith.constant 0 : index
    %swap3A_39 = arith.constant 0 : index
    %swap3A_40 = vector.load %arg5[%swap3A, %swap3A_39] : memref<10000x32xf32, #tpu.memory_space<vmem>>, vector<10000x32xf32>
    tpu.vector_store %arg5[%swap3A, %swap3A_39], %mul3A_38 {strides = array<i32>} : memref<10000x32xf32, #tpu.memory_space<vmem>>, vector<10000x32xf32>,
    return
  }
}

module attributes {stable_mosaic.version = 14 : i64} {
  func.func @_tc3_body(%arg0: memref<2x10240x1xf32, #tpu.memory_space<vmem>>, %arg1: memref<2x10240x32xf32, #tpu.memory_space<vmem>>, %arg2: memref<10000x32xf32, #tpu.memory_space<vmem>>, %arg3: memref<1x32xf32, #tpu.memory_space<vmem>>, %arg4: memref<32x40xf32, #tpu.memory_space<vmem>>, %arg5: memref<10000x32xf32, #tpu.memory_space<vmem>>, %arg6: memref<10000x40xf32, #tpu.memory_space<vmem>>) attributes {dimension_semantics = [], scalar_prefetch = 0 : i64, scratch_operands = 0 : i64, tpu.core_type = #tpu.core_type<tc>} {
    %get3A = arith.constant 0 : index
    %get3A_0 = arith.constant 0 : index
    %get3A_1 = arith.constant 0 : index
    %get3A_2 = vector.load %arg0[%get3A, %get3A_0, %get3A_1] : memref<2x10240x1xf32, #tpu.memory_space<vmem>>, vector<1x10000x1xf32>
    %get3A_3 = vector.shape_cast %get3A_2 : vector<1x10000x1xf32> to vector<10000x1xf32>
    %get3A_4 = arith.constant 1 : index
    %get3A_5 = arith.constant 0 : index
    %get3A_6 = arith.constant 0 : index
    %get3A_7 = vector.load %arg0[%get3A_4, %get3A_5, %get3A_6] : memref<2x10240x1xf32, #tpu.memory_space<vmem>>, vector<1x10000x1xf32>
    %get3A_8 = vector.shape_cast %get3A_7 : vector<1x10000x1xf32> to vector<10000x1xf32>
    %add3A = arith.addf %get3A_3, %get3A_8 : vector<10000x1xf32>
    %add3A_9 = arith.constant 1.000000e+00 : f32
    %add3A_10 = vector.broadcast %add3A_9 : f32 to vector<10000x1xf32>
    %add3A_11 = arith.addf %add3A, %add3A_10 : vector<10000x1xf32>
    %rsqrt3A = math.rsqrt %add3A_11 : vector<10000x1xf32>
    %get3A_12 = arith.constant 0 : index
    %get3A_13 = arith.constant 0 : index
    %get3A_14 = arith.constant 0 : index
    %get3A_15 = vector.load %arg1[%get3A_12, %get3A_13, %get3A_14] : memref<2x10240x32xf32, #tpu.memory_space<vmem>>, vector<1x10000x32xf32>
    %get3A_16 = vector.shape_cast %get3A_15 : vector<1x10000x32xf32> to vector<10000x32xf32>
    %get3A_17 = arith.constant 1 : index
    %get3A_18 = arith.constant 0 : index
    %get3A_19 = arith.constant 0 : index
    %get3A_20 = vector.load %arg1[%get3A_17, %get3A_18, %get3A_19] : memref<2x10240x32xf32, #tpu.memory_space<vmem>>, vector<1x10000x32xf32>
    %get3A_21 = vector.shape_cast %get3A_20 : vector<1x10000x32xf32> to vector<10000x32xf32>
    %add3A_22 = arith.addf %get3A_16, %get3A_21 : vector<10000x32xf32>
    %get3A_23 = arith.constant 0 : index
    %get3A_24 = arith.constant 0 : index
    %get3A_25 = vector.load %arg2[%get3A_23, %get3A_24] : memref<10000x32xf32, #tpu.memory_space<vmem>>, vector<10000x32xf32>
    %add3A_26 = arith.addf %add3A_22, %get3A_25 : vector<10000x32xf32>
    %mul3A = vector.broadcast %rsqrt3A : vector<10000x1xf32> to vector<10000x32xf32>
    %mul3A_27 = arith.mulf %mul3A, %add3A_26 : vector<10000x32xf32>
    %get3A_28 = arith.constant 0 : index
    %get3A_29 = arith.constant 0 : index
    %get3A_30 = vector.load %arg3[%get3A_28, %get3A_29] : memref<1x32xf32, #tpu.memory_space<vmem>>, vector<1x32xf32>
    %add3A_31 = vector.broadcast %get3A_30 : vector<1x32xf32> to vector<10000x32xf32>
    %add3A_32 = arith.addf %mul3A_27, %add3A_31 : vector<10000x32xf32>
    %swap3A = arith.constant 0 : index
    %swap3A_33 = arith.constant 0 : index
    %swap3A_34 = vector.load %arg5[%swap3A, %swap3A_33] : memref<10000x32xf32, #tpu.memory_space<vmem>>, vector<10000x32xf32>
    tpu.vector_store %arg5[%swap3A, %swap3A_33], %add3A_32 {strides = array<i32>} : memref<10000x32xf32, #tpu.memory_space<vmem>>, vector<10000x32xf32>,
    %tanh3A = math.tanh %add3A_32 : vector<10000x32xf32>
    %get3A_35 = arith.constant 0 : index
    %get3A_36 = arith.constant 0 : index
    %get3A_37 = vector.load %arg4[%get3A_35, %get3A_36] : memref<32x40xf32, #tpu.memory_space<vmem>>, vector<32x40xf32>
    %dot_general3A = arith.constant dense<0.000000e+00> : vector<10000x40xf32>
    %dot_general3A_38 = tpu.matmul %tanh3A, %get3A_37, %dot_general3A {dimension_numbers = #tpu.dot_dimension_numbers<[1], [0], [0], [1], [0, 0, 1, 1], [], []>, transpose_lhs_hint = false} : vector<10000x32xf32>, vector<32x40xf32>, vector<10000x40xf32> -> vector<10000x40xf32>
    %mul3A_39 = vector.broadcast %rsqrt3A : vector<10000x1xf32> to vector<10000x40xf32>
    %mul3A_40 = arith.mulf %dot_general3A_38, %mul3A_39 : vector<10000x40xf32>
    %swap3A_41 = arith.constant 0 : index
    %swap3A_42 = arith.constant 0 : index
    %swap3A_43 = vector.load %arg6[%swap3A_41, %swap3A_42] : memref<10000x40xf32, #tpu.memory_space<vmem>>, vector<10000x40xf32>
    tpu.vector_store %arg6[%swap3A_41, %swap3A_42], %mul3A_40 {strides = array<i32>} : memref<10000x40xf32, #tpu.memory_space<vmem>>, vector<10000x40xf32>,
    return
  }
}

module attributes {stable_mosaic.version = 14 : i64} {
  func.func @_tc4_body(%arg0: memref<2x10240x1xf32, #tpu.memory_space<vmem>>, %arg1: memref<2x10240x40xf32, #tpu.memory_space<vmem>>, %arg2: memref<10000x40xf32, #tpu.memory_space<vmem>>, %arg3: memref<1x40xf32, #tpu.memory_space<vmem>>, %arg4: memref<10000x40xf32, #tpu.memory_space<vmem>>) attributes {dimension_semantics = [], scalar_prefetch = 0 : i64, scratch_operands = 0 : i64, tpu.core_type = #tpu.core_type<tc>} {
    %get3A = arith.constant 0 : index
    %get3A_0 = arith.constant 0 : index
    %get3A_1 = arith.constant 0 : index
    %get3A_2 = vector.load %arg0[%get3A, %get3A_0, %get3A_1] : memref<2x10240x1xf32, #tpu.memory_space<vmem>>, vector<1x10000x1xf32>
    %get3A_3 = vector.shape_cast %get3A_2 : vector<1x10000x1xf32> to vector<10000x1xf32>
    %get3A_4 = arith.constant 1 : index
    %get3A_5 = arith.constant 0 : index
    %get3A_6 = arith.constant 0 : index
    %get3A_7 = vector.load %arg0[%get3A_4, %get3A_5, %get3A_6] : memref<2x10240x1xf32, #tpu.memory_space<vmem>>, vector<1x10000x1xf32>
    %get3A_8 = vector.shape_cast %get3A_7 : vector<1x10000x1xf32> to vector<10000x1xf32>
    %add3A = arith.addf %get3A_3, %get3A_8 : vector<10000x1xf32>
    %add3A_9 = arith.constant 1.000000e+00 : f32
    %add3A_10 = vector.broadcast %add3A_9 : f32 to vector<10000x1xf32>
    %add3A_11 = arith.addf %add3A, %add3A_10 : vector<10000x1xf32>
    %rsqrt3A = math.rsqrt %add3A_11 : vector<10000x1xf32>
    %get3A_12 = arith.constant 0 : index
    %get3A_13 = arith.constant 0 : index
    %get3A_14 = arith.constant 0 : index
    %get3A_15 = vector.load %arg1[%get3A_12, %get3A_13, %get3A_14] : memref<2x10240x40xf32, #tpu.memory_space<vmem>>, vector<1x10000x40xf32>
    %get3A_16 = vector.shape_cast %get3A_15 : vector<1x10000x40xf32> to vector<10000x40xf32>
    %get3A_17 = arith.constant 1 : index
    %get3A_18 = arith.constant 0 : index
    %get3A_19 = arith.constant 0 : index
    %get3A_20 = vector.load %arg1[%get3A_17, %get3A_18, %get3A_19] : memref<2x10240x40xf32, #tpu.memory_space<vmem>>, vector<1x10000x40xf32>
    %get3A_21 = vector.shape_cast %get3A_20 : vector<1x10000x40xf32> to vector<10000x40xf32>
    %add3A_22 = arith.addf %get3A_16, %get3A_21 : vector<10000x40xf32>
    %get3A_23 = arith.constant 0 : index
    %get3A_24 = arith.constant 0 : index
    %get3A_25 = vector.load %arg2[%get3A_23, %get3A_24] : memref<10000x40xf32, #tpu.memory_space<vmem>>, vector<10000x40xf32>
    %add3A_26 = arith.addf %add3A_22, %get3A_25 : vector<10000x40xf32>
    %mul3A = vector.broadcast %rsqrt3A : vector<10000x1xf32> to vector<10000x40xf32>
    %mul3A_27 = arith.mulf %mul3A, %add3A_26 : vector<10000x40xf32>
    %get3A_28 = arith.constant 0 : index
    %get3A_29 = arith.constant 0 : index
    %get3A_30 = vector.load %arg3[%get3A_28, %get3A_29] : memref<1x40xf32, #tpu.memory_space<vmem>>, vector<1x40xf32>
    %add3A_31 = vector.broadcast %get3A_30 : vector<1x40xf32> to vector<10000x40xf32>
    %add3A_32 = arith.addf %mul3A_27, %add3A_31 : vector<10000x40xf32>
    %swap3A = arith.constant 0 : index
    %swap3A_33 = arith.constant 0 : index
    %swap3A_34 = vector.load %arg4[%swap3A, %swap3A_33] : memref<10000x40xf32, #tpu.memory_space<vmem>>, vector<10000x40xf32>
    tpu.vector_store %arg4[%swap3A, %swap3A_33], %add3A_32 {strides = array<i32>} : memref<10000x40xf32, #tpu.memory_space<vmem>>, vector<10000x40xf32>,
    return
  }
}

</mosaic_0001>

<sc_bundles>
// kernel: kernel.10.cloned.1.call-start
scs
__scs_entry_jumppad:
0x0: {  	(pc) =	sbr.rel $0x88, $3  }
0x1: {  	(tag) =	ssettag $0x0;
	lr =	simm.s32 $0x1  }
0x2: {  	[smem:$0x3F99] =	sst lr;
	_ =	strace $0xD0000000  }
0x3: {  	_ = 	snop  }
0x4: {  	_ = 	snop  }
0x5: {  	_ = 	snop  }
0x6: {  	_ = 	snop  }
0x7: {  	_ = 	snop  }
__scs_overlays_trampoline_lowered:
0x8: {  	[smem:$0x3FA8] =	sst s0  }
0x9: {  	[smem:$0x3FA9] =	sst s1  }
0xa: {  	[smem:$0x3FAA] =	sst s2  }
0xb: {  	[smem:$0x3FAB] =	sst s3  }
0xc: {  	[smem:$0x3FAC] =	sst s4  }
0xd: {  	[smem:$0x3FAD] =	sst s5  }
0xe: {  	[smem:$0x3FAE] =	sst s6  }
0xf: {  	[smem:$0x3FAF] =	sst s7  }
0x10: {  	[smem:$0x3FB0] =	sst s8  }
0x11: {  	[smem:$0x3FB1] =	sst s9;
	s0 =	simm.s32 @!p0 $0x0  }
0x12: {  	s1 =	sld [smem:$0x3F97];
	s0 =	simm.s32 @p0 $0x1  }
0x13: {  	[smem:$0x3FB2] =	sst s0;
	s0 =	simm.s32 @!p1 $0x0  }
0x14: {  	s2 =	sld [smem:$0x3F96];
	s0 =	simm.s32 @p1 $0x1  }
0x15: {  	[smem:$0x3FB3] =	sst s0;
	s0 =	simm.s32 @!p2 $0x0  }
0x16: {  	s3 =	sld [smem:$0x3FDB];
	s0 =	simm.s32 @p2 $0x1  }
0x17: {  	s4 =	simm.s32 $0x1BF5;
	[smem:$0x3FB5] =	sst s0  }
0x18: {  	s0 =	sld [smem:$0x3F98];
	_ =	swait.ge [sflag:s4], $0x0  }
0x19: {  	s7 =	sld [smem:$0x3F99]  }
0x1a: {  	s8 =	sadd.s32 $0xFFFFE003, lr  }
0x1b: {  	s9 =	sadd.s32 $0xFFFFFEF7, lr;
	s5 =	simm.s32 $0xFFFFFFFF;
	p2 =	slt.u32 s8, $0xFFFFF086  }
0x1c: {  	p1 =	slt.u32 s9, $0xF7A;
	s5 =	simm.s32 @!p2 $0x0  }
0x1d: {  	s5 =	simm.s32 @p1 $0x1;
	p0 =	seq.s32 s7, s2  }
0x1e: {  	s7 =	smul.u32 @!p0 $0xF7A, s2;
	p2 =	seq.s32 @!p0 s5, $0x0  }
0x1f: {  	s9 =	smul.u32 $0xF7A, s1;
	s8 =	simm.s32 @!p0 $0x1BF5;
	p2 =	por !p2, p0  }
0x20: {  	[sflag:s8] =	ssyncset.s32 @!p0 $0xFFFFF086;
	s6 =	sadd.s32 @!p0 s3, s7;
	s7 =	simm.s32 @!p0 $0x108  }
0x21: {  	s3 =	sadd.s32 s3, s9;
	s6 =	sadd.s32 @!p0 $0x88, s6;
	s7 =	simm.s32 @p2 $0x1082  }
0x22: {  	[simem:s7], [sflag:s8] =	dma.local @!p0 [hbm:s6], $0xF7A  }
0x23: {  	s9 =	sor.u32 $0xD0000000, s2;
	s6 =	simm.s32 $0x108;
	_ =	swait.ge @!p0 [sflag:s8], $0x0  }
0x24: {  	s3 =	sadd.s32 $0x88, s3;
	s6 =	simm.s32 @!p1 $0x1082;
	[sflag:s4] =	ssyncset.s32 $0xFFFFF086  }
0x25: {  	[simem:s6], [sflag:s4] =	dma.local [hbm:s3], $0xF7A  }
0x26: {  	[smem:$0x3F99] =	sst s1;
	(tag) =	ssettag s2;
	_ =	strace s9  }
0x27: {  	s1 =	sld [smem:$0x3FA9]  }
0x28: {  	s2 =	sld [smem:$0x3FAA]  }
0x29: {  	s4 =	sld [smem:$0x3FAC]  }
0x2a: {  	p0 =	seq.s32 s5, $0x0;
	s5 =	sld [smem:$0x3FAD]  }
0x2b: {  	s6 =	sld [smem:$0x3FAE]  }
0x2c: {  	s7 =	sld [smem:$0x3FAF]  }
0x2d: {  	s3 =	simm.s32 $0x108;
	s8 =	sld [smem:$0x3FB0]  }
0x2e: {  	s3 =	simm.s32 @!p0 $0x1082;
	s9 =	sld [smem:$0x3FB1]  }
0x2f: {  	lr =	sadd.s32 s0, s3;
	s0 =	sld [smem:$0x3FA8]  }
0x30: {  	s3 =	sld [smem:$0x3FAB]  }
0x31: {  	[smem:$0x3FB4] =	sst s10  }
0x32: {  	s10 =	sld [smem:$0x3FB2];
	_ =	sdelay $0x3  }
0x33: {  	p0 =	seq.s32 s10, $0x1;
	s10 =	sld [smem:$0x3FB4];
	_ =	sdelay $0x3  }
0x34: {  	[smem:$0x3FB4] =	sst s10  }
0x35: {  	s10 =	sld [smem:$0x3FB3];
	_ =	sdelay $0x3  }
0x36: {  	p1 =	seq.s32 s10, $0x1;
	s10 =	sld [smem:$0x3FB4];
	_ =	sdelay $0x3  }
0x37: {  	[smem:$0x3FB4] =	sst s10  }
0x38: {  	s10 =	sld [smem:$0x3FB5]  }
0x39: {  	_ = 	snop;
	(pc) =	sbr.ind lr, $3  }
0x3a: {  	_ = 	snop  }
0x3b: {  	_ = 	snop  }
0x3c: {  	p2 =	seq.s32 s10, $0x1;
	s10 =	sld [smem:$0x3FB4]  }
0x3d: {  	_ =	shalt  }
0x3e: {  	_ =	shalt  }
0x3f: {  	_ =	shalt  }
0x40: {  	_ =	shalt  }
0x41: {  	_ =	shalt  }
0x42: {  	_ =	shalt  }
0x43: {  	_ =	shalt  }
0x44: {  	_ =	shalt  }
0x45: {  	_ =	shalt  }
0x46: {  	_ =	shalt  }
0x47: {  	_ =	shalt  }
0x48: {  	_ =	shalt  }
0x49: {  	_ =	shalt  }
0x4a: {  	_ =	shalt  }
0x4b: {  	_ =	shalt  }
0x4c: {  	_ =	shalt  }
0x4d: {  	_ =	shalt  }
0x4e: {  	_ =	shalt  }
0x4f: {  	_ =	shalt  }
0x50: {  	_ =	shalt  }
0x51: {  	_ =	shalt  }
0x52: {  	_ =	shalt  }
0x53: {  	_ =	shalt  }
0x54: {  	_ =	shalt  }
0x55: {  	_ =	shalt  }
0x56: {  	_ =	shalt  }
0x57: {  	_ =	shalt  }
0x58: {  	_ =	shalt  }
0x59: {  	_ =	shalt  }
0x5a: {  	_ =	shalt  }
0x5b: {  	_ =	shalt  }
0x5c: {  	_ =	shalt  }
0x5d: {  	_ =	shalt  }
0x5e: {  	_ =	shalt  }
0x5f: {  	_ =	shalt  }
0x60: {  	_ =	shalt  }
0x61: {  	_ =	shalt  }
0x62: {  	_ =	shalt  }
0x63: {  	_ =	shalt  }
0x64: {  	_ =	shalt  }
0x65: {  	_ =	shalt  }
0x66: {  	_ =	shalt  }
0x67: {  	_ =	shalt  }
0x68: {  	_ =	shalt  }
0x69: {  	_ =	shalt  }
0x6a: {  	_ =	shalt  }
0x6b: {  	_ =	shalt  }
0x6c: {  	_ =	shalt  }
0x6d: {  	_ =	shalt  }
0x6e: {  	_ =	shalt  }
0x6f: {  	_ =	shalt  }
0x70: {  	_ =	shalt  }
0x71: {  	_ =	shalt  }
0x72: {  	_ =	shalt  }
0x73: {  	_ =	shalt  }
0x74: {  	_ =	shalt  }
0x75: {  	_ =	shalt  }
0x76: {  	_ =	shalt  }
0x77: {  	_ =	shalt  }
0x78: {  	_ =	shalt  }
0x79: {  	_ =	shalt  }
0x7a: {  	_ =	shalt  }
0x7b: {  	_ =	shalt  }
0x7c: {  	_ =	shalt  }
0x7d: {  	_ =	shalt  }
0x7e: {  	_ =	shalt  }
0x7f: {  	_ =	shalt  }
0x80: {  	_ =	shalt  }
0x81: {  	_ =	shalt  }
0x82: {  	_ =	shalt  }
0x83: {  	_ =	shalt  }
0x84: {  	_ =	shalt  }
0x85: {  	_ =	shalt  }
0x86: {  	_ =	shalt  }
0x87: {  	_ =	shalt  }
.Lfunc_end0:
.L_simem_size_0:
called_computation_lowered:
.L_overlay_start_0:
0x88: {  	s2 =	sld [smem:$0x3FD9]  }
0x89: {  	s3 =	sld [smem:$0x3FFE];
	_ =	sdelay $0x1  }
0x8a: {  	s1 =	srdreg.scid  }
0x8b: {  	s0 =	sand.u32 $0x1, s1  }
0x8c: {  	s14 =	sshll.u32 s0, $0xA;
	s2 =	sadd.s32 s3, s2  }
0x8d: {  	s2 =	sadd.s32 s2, s14  }
0x8e: {  	[smem:$0x3FC0] =	sst s2  }
0x8f: {  	_ = 	snop  }
0x90: {  	s2 =	sld [smem:$0x3FD0];
	_ =	sdelay $0x2  }
0x91: {  	s15 =	simm.s32 $0xA;
	s4 =	simm.s32 $0x10  }
0x92: {  	[smem:s4], [sflag:s15] =	dma.local [hbm:s2], $0x1  }
0x93: {  	_ =	swait.eq [sflag:s15], $0x1  }
0x94: {  	[sflag:s15] =	ssyncset.done $0x0  }
0x95: {  	s16 =	sld [smem:$0x10];
	[sflag:s15] =	ssyncadd.s32 $0xFFFFFFFF  }
0x96: {  	s17 =	sld [smem:$0x11];
	(tm) =	ssettm $0x1  }
0x97: {  	s18 =	sld [smem:$0x3FFB];
	_ =	sdelay $0x3  }
0x98: {  	_ =	strace s18  }
0x99: {  	s4 =	sld [smem:$0x3FFC];
	_ =	sdelay $0x3  }
0x9a: {  	_ =	strace s4  }
0x9b: {  	s4 =	sld [smem:$0x3FFD];
	_ =	sdelay $0x3  }
0x9c: {  	_ =	strace s4  }
0x9d: {  	_ =	strace $0x8FFFFFFF  }
0x9e: {  	s19 =	sld [smem:$0x3FDB];
	_ =	sdelay $0x1  }
0x9f: {  	s5 =	simm.s32 $_scs_section_size  }
0xa0: {  	s6 =	simm.s32 $_size__tile_overlayer_lowered;
	s7 =	simm.s32 $_tile_overlayer_lowered  }
0xa1: {  	s22 =	simm.s32 $0x1BFF;
	s21 =	sshll.u32 s7, $0x1;
	s4 =	sadd.s32 s5, s19  }
0xa2: {  	s8 =	simm.s32 $0x0;
	s20 =	sshll.u32 s6, $0x1;
	s6 =	sadd.s32 s21, s4  }
0xa3: {  	[timem:s8], [sflag:s22] =	dma.local [hbm:s6], s20  }
0xa4: {  	_ =	swait.ge [sflag:s22], s20  }
0xa5: {  	s5 =	ssub.s32 $0x0, s20;
	[sflag:s22] =	ssyncset.done $0x0  }
0xa6: {  	[sflag:s22] =	ssyncadd.s32 s5;
	_ =	sdelay $0x1  }
0xa7: {  	s23 =	simm.s32 $0x1B8B  }
0xa8: {  	_ =	swait.ge [sflag:s23], $0x1  }
0xa9: {  	[sflag:s23] =	ssyncset.done $0x0  }
0xaa: {  	s25 =	simm.s32 $0x1B8E;
	s24 =	sld [smem:$0x3FFE];
	[sflag:s23] =	ssyncadd.s32 $0xFFFFFFFF  }
0xab: {  	s26 =	simm.s32 $execute0_lowered;
	[smem:$0x3FD2] =	sst s25  }
0xac: {  	s6 =	sshll.u32 s26, $0x1;
	_ =	strace $0x80000046;
	[dreg:$0x1] =	wrdreg $0xFFFFFFFF  }
0xad: {  	s28 =	simm.s32 $_size_execute0_lowered;
	s4 =	sadd.s32 s4, s6;
	[dreg:$0x0] =	wrdreg $0x0  }
0xae: {  	s6 =	sshll.u32 s28, $0x1;
	[dreg:$0x2] =	wrdreg s4  }
0xaf: {  	[dreg:$0x3] =	wrdreg s6  }
0xb0: {  	[dreg:$0x4] =	wrdreg $0xC0  }
0xb1: {  	_ =	task [dreg:s8], $0x5FFFF  }
0xb2: {  	[dreg:$0x1] =	wrdreg $0xFFFFFFFF  }
0xb3: {  	[dreg:$0x0] =	wrdreg $0x60  }
0xb4: {  	[dreg:$0x2] =	wrdreg s24  }
0xb5: {  	[dreg:$0x3] =	wrdreg s16  }
0xb6: {  	[dreg:$0x4] =	wrdreg s17  }
0xb7: {  	[dreg:$0x5] =	wrdreg $0x2C000  }
0xb8: {  	[dreg:$0x6] =	wrdreg $0x9  }
0xb9: {  	_ =	task.clear_ibuf [dreg:s8], $0x7FFFF;
	_ =	strace $0x90000046  }
0xba: {  	s29 =	simm.s32 $0x9;
	_ =	strace $0x80000048  }
0xbb: {  	_ =	swait.ge [sflag:s29], $0x1  }
0xbc: {  	[sflag:s29] =	ssyncadd.s32 $0xFFFFFFFF  }
0xbd: {  	_ =	strace $0x90000048  }
0xbe: {  	_ =	sfence  }
0xbf: {  	s30 =	sld [smem:$0x0];
	_ =	sdelay $0x2  }
0xc0: {  	s31 =	sshll.u32 s1, $0xD;
	s1 =	sshrl.u32 s1, $0x2  }
0xc1: {  	s3 =	sand.u32 $0x4000, s31;
	s1 =	sadd.s32 s1, s30  }
0xc2: {  	s0 =	sor.u32 s3, s0;
	s1 =	sshll.u32 s1, $0x11  }
0xc3: {  	s0 =	sor.u32 s1, s0  }
0xc4: {  	s0 =	sadd.s32 $0x8F2B, s0  }
0xc5: {  	[sflag:s0] =	ssyncadd.remote.s32 $0x1  }
0xc6: {  	_ =	sfence.sel $0xFFFF  }
0xc7: {  	[dreg:$0x0] =	wrdreg $0xFFFFFFFF;
	(pc) =	sbr.abs _section_cstart, $3  }
0xc8: {  	[dreg:$0x1] =	wrdreg $0xFFFFFFFF  }
0xc9: {  	_ =	task.clear_ibuf [dreg:s8], $0x2FFFF;
	_ =	strace $0x9FFFFFFF  }
0xca: {  	(tm) =	ssettm $0x7FFFFFFF  }
0xcb: {  	_ =	shalt  }
tec
execute0_lowered:
.L_overlay_start_1:
0x0: {  	(tag) =	ssettag $0x1  }
0x1: {  	s5 =	rddreg [dreg:$0x0]  }
0x2: {  	s0 =	rddreg [dreg:$0x1]  }
0x3: {  	s7 =	rddreg [dreg:$0x2]  }
0x4: {  	s1 =	srdreg.scid;
	s3 =	rddreg [dreg:$0x3]  }
0x5: {  	s4 =	simm.s32 $0x0;
	s6 =	sand.u32 $0x1, s1;
	s1 =	rddreg [dreg:$0x4]  }
0x6: {  	s2 =	stileid.u32;
	[smem:$0x7FF] =	sst s4  }
0x7: {  	s10 =	smul.u32 $0x1400, s2;
	s31 =	sshll.u32 s2, $0x6;
	s8 =	sshll.u32 s6, $0x4  }
0x8: {  	_ =	strace $0x80000047;
	s9 =	ssub.s32 $0x2, s6;
	s12 =	smul.u32 $0x2800, s6  }
0x9: {  	s8 =	sor.u32 s2, s8;
	s11 =	sshrl.u32 s9, $0x1;
	s30 =	sadd.s32 s10, s3  }
0xa: {  	s14 =	sshrl.u32 s10, $0x3;
	s10 =	sor.u32 $0x1C01, s31;
	s8 =	smul.u32 $0x500, s8  }
0xb: {  	s9 =	ssub.s32 s9, s11;
	s13 =	sadd.s32 s7, s12;
	s11 =	sshrl.u32 s30, $0x3  }
0xc: {  	s12 =	simm.s32 $0x80;
	s7 =	smax.u32 s9, $0x1;
	s9 =	simm.s32 $0x2800  }
0xd: {  	s13 =	sadd.s32 s14, s13;
	s14 =	simm.s32 $0x0;
	s8 =	sadd.s32 s8, s5  }
0xe: {  	s5 =	sadd.s32 $0x2C00, s5;
	s6 =	sadd.s32 $0x2E00, s8;
	s8 =	simm.s32 $0x1  }
.LBB2_1:
0xf: {  	[tilespmem:s4], [sflag:$0x1] =	stream.linear.gather [hbm4b:s6+s4], $0x2800, $0x38;
	[tilespmem:$0x2E80] =	vst v63  }
0x10: {  	_ =	swait.ge [sflag:s8], $0x2800  }
0x11: {  	[sflag:s8] =	ssyncset.done $0x0  }
0x12: {  	[sflag:s8] =	ssyncadd.s32 $0xFFFFD800  }
0x13: {  	[tilespmem:s9], [sflag:$0x1] =	stream.linear.gather [hbm4b:s5+s4], $0x400, $0x38;
	[tilespmem:$0x2E80] =	vst v63  }
0x14: {  	_ =	swait.ge [sflag:s8], $0x400  }
0x15: {  	[sflag:s8] =	ssyncset.done $0x0  }
0x16: {  	[sflag:s8] =	ssyncadd.s32 $0xFFFFFC00  }
0x17: {  	[spmem:s11], [sflag:s10] =	dma.local [hbm:s0], $0x280  }
0x18: {  	_ =	swait.ge [sflag:s8], $0x280  }
0x19: {  	[sflag:s8] =	ssyncset.done $0x0  }
0x1a: {  	[sflag:s8] =	ssyncadd.s32 $0xFFFFFD80  }
0x1b: {  	s15 =	simm.s32 $0x0;
	[bflag:$0x0] =	sbarrier.arrive $0xFFFF  }
0x1c: {  	[spmem:s3] =	stream.indirect.scatter.add.f32 [tilespmem:s9], [sflag:$0x1], $0x1, s15, s12, $0xb8;
	[tilespmem:$0x2E80] =	vst v63  }
0x1d: {  	_ =	swait.ge [sflag:s8], $0x80  }
0x1e: {  	s15 =	simm.s32 $0x200;
	[sflag:s8] =	ssyncset.done $0x0  }
.LBB2_2:
0x1f: {  	s16 =	sshra.s32 s15, $0x2;
	[sflag:s8] =	ssyncadd.s32 $0xFFFFFF80;
	p0 =	sne.s32 s15, $0x9E00  }
0x20: {  	[spmem:s3] =	stream.indirect.scatter.add.f32 [tilespmem:s9], [sflag:$0x1], $0x1, s16, s12, $0xb8;
	[tilespmem:$0x2E80] =	vst v63  }
.Ltmp0:
0x21: {  	_ = 	snop;
	(pc) =	sbr.rel @p0 .LBB2_2-.Ltmp0, $4  }
0x22: {  	_ = 	snop  }
0x23: {  	s15 =	sadd.s32 $0x200, s15  }
0x24: {  	_ =	swait.ge [sflag:s8], $0x80  }
0x25: {  	[sflag:s8] =	ssyncset.done $0x0  }
0x26: {  	s14 =	sadd.s32 $0x1, s14  }
0x27: {  	[sflag:s8] =	ssyncadd.s32 $0xFFFFFF80;
	p0 =	sne.s32 s14, s7  }
.Ltmp1:
0x28: {  	[bflag:$0x0] =	sbarrier.arrive $0xFFFF;
	(pc) =	sbr.rel @p0 .LBB2_1-.Ltmp1, $4  }
0x29: {  	[hbm:s13], [sflag:s10] =	dma.local [spmem:s11], $0x280  }
0x2a: {  	_ =	swait.ge [sflag:s8], $0x280  }
0x2b: {  	[sflag:s8] =	ssyncset.done $0x0  }
0x2c: {  	[sflag:s8] =	ssyncadd.s32 $0xFFFFFD80  }
0x2d: {  	_ =	sfence.sel $0x180000  }
0x2e: {  	[bflag:$0x0] =	sbarrier.arrive $0xFFFF  }
0x2f: {  	p0 =	sne.s32 s2, $0x0;
	_ =	strace $0x90000047  }
0x30: {  	s0 =	sadd.s32 @!p0 $0x100000, s1;
	[bflag:$0x2] =	sbarrier.arrive $0xFFFF  }
0x31: {  	[sflag:s0] =	ssyncadd.tile.s32 @!p0 $0x1;
	_ =	shalt  }
.Lfunc_end2:
_tile_overlayer_lowered:
.L_overlay_start_2:
0x32: {  	(tag) =	ssettag $0x2  }
0x33: {  	s0 =	rddreg [dreg:$0x0];
	s2 =	stileid.u32  }
0x34: {  	s1 =	rddreg [dreg:$0x1];
	p0 =	sne.s32 s2, $0x0  }
0x35: {  	s3 =	rddreg [dreg:$0x2];
	[bflag:$0x3] =	sbarrier.arrive $0xFFFF;
	s2 =	simm.s32 @!p0 $0x1C01  }
0x36: {  	[timem:s3], [sflag:s2] =	dma.local @!p0 [hbm:s0], s1  }
0x37: {  	s0 =	simm.s32 @!p0 $0x1  }
0x38: {  	_ =	swait.ge @!p0 [sflag:s0], s1  }
0x39: {  	s1 =	ssub.s32 @!p0 $0x0, s1;
	[sflag:s0] =	ssyncset.done @!p0 $0x0  }
0x3a: {  	[sflag:s0] =	ssyncadd.s32 @!p0 s1  }
0x3b: {  	[bflag:$0x3] =	sbarrier.arrive $0xFFFF  }
0x3c: {  	_ =	shalt  }

// kernel: kernel.13.cloned.1.call-start
scs
__scs_entry_jumppad:
0x0: {  	(pc) =	sbr.rel $0x88, $3  }
0x1: {  	(tag) =	ssettag $0x0;
	lr =	simm.s32 $0x1  }
0x2: {  	[smem:$0x3F99] =	sst lr;
	_ =	strace $0xD0000000  }
0x3: {  	_ = 	snop  }
0x4: {  	_ = 	snop  }
0x5: {  	_ = 	snop  }
0x6: {  	_ = 	snop  }
0x7: {  	_ = 	snop  }
__scs_overlays_trampoline_lowered:
0x8: {  	[smem:$0x3FA8] =	sst s0  }
0x9: {  	[smem:$0x3FA9] =	sst s1  }
0xa: {  	[smem:$0x3FAA] =	sst s2  }
0xb: {  	[smem:$0x3FAB] =	sst s3  }
0xc: {  	[smem:$0x3FAC] =	sst s4  }
0xd: {  	[smem:$0x3FAD] =	sst s5  }
0xe: {  	[smem:$0x3FAE] =	sst s6  }
0xf: {  	[smem:$0x3FAF] =	sst s7  }
0x10: {  	[smem:$0x3FB0] =	sst s8  }
0x11: {  	[smem:$0x3FB1] =	sst s9;
	s0 =	simm.s32 @!p0 $0x0  }
0x12: {  	s1 =	sld [smem:$0x3F97];
	s0 =	simm.s32 @p0 $0x1  }
0x13: {  	[smem:$0x3FB2] =	sst s0;
	s0 =	simm.s32 @!p1 $0x0  }
0x14: {  	s2 =	sld [smem:$0x3F96];
	s0 =	simm.s32 @p1 $0x1  }
0x15: {  	[smem:$0x3FB3] =	sst s0;
	s0 =	simm.s32 @!p2 $0x0  }
0x16: {  	s3 =	sld [smem:$0x3FDB];
	s0 =	simm.s32 @p2 $0x1  }
0x17: {  	s4 =	simm.s32 $0x1BF5;
	[smem:$0x3FB5] =	sst s0  }
0x18: {  	s0 =	sld [smem:$0x3F98];
	_ =	swait.ge [sflag:s4], $0x0  }
0x19: {  	s7 =	sld [smem:$0x3F99]  }
0x1a: {  	s8 =	sadd.s32 $0xFFFFE003, lr  }
0x1b: {  	s9 =	sadd.s32 $0xFFFFFEF7, lr;
	s5 =	simm.s32 $0xFFFFFFFF;
	p2 =	slt.u32 s8, $0xFFFFF086  }
0x1c: {  	p1 =	slt.u32 s9, $0xF7A;
	s5 =	simm.s32 @!p2 $0x0  }
0x1d: {  	s5 =	simm.s32 @p1 $0x1;
	p0 =	seq.s32 s7, s2  }
0x1e: {  	s7 =	smul.u32 @!p0 $0xF7A, s2;
	p2 =	seq.s32 @!p0 s5, $0x0  }
0x1f: {  	s9 =	smul.u32 $0xF7A, s1;
	s8 =	simm.s32 @!p0 $0x1BF5;
	p2 =	por !p2, p0  }
0x20: {  	[sflag:s8] =	ssyncset.s32 @!p0 $0xFFFFF086;
	s6 =	sadd.s32 @!p0 s3, s7;
	s7 =	simm.s32 @!p0 $0x108  }
0x21: {  	s3 =	sadd.s32 s3, s9;
	s6 =	sadd.s32 @!p0 $0x88, s6;
	s7 =	simm.s32 @p2 $0x1082  }
0x22: {  	[simem:s7], [sflag:s8] =	dma.local @!p0 [hbm:s6], $0xF7A  }
0x23: {  	s9 =	sor.u32 $0xD0000000, s2;
	s6 =	simm.s32 $0x108;
	_ =	swait.ge @!p0 [sflag:s8], $0x0  }
0x24: {  	s3 =	sadd.s32 $0x88, s3;
	s6 =	simm.s32 @!p1 $0x1082;
	[sflag:s4] =	ssyncset.s32 $0xFFFFF086  }
0x25: {  	[simem:s6], [sflag:s4] =	dma.local [hbm:s3], $0xF7A  }
0x26: {  	[smem:$0x3F99] =	sst s1;
	(tag) =	ssettag s2;
	_ =	strace s9  }
0x27: {  	s1 =	sld [smem:$0x3FA9]  }
0x28: {  	s2 =	sld [smem:$0x3FAA]  }
0x29: {  	s4 =	sld [smem:$0x3FAC]  }
0x2a: {  	p0 =	seq.s32 s5, $0x0;
	s5 =	sld [smem:$0x3FAD]  }
0x2b: {  	s6 =	sld [smem:$0x3FAE]  }
0x2c: {  	s7 =	sld [smem:$0x3FAF]  }
0x2d: {  	s3 =	simm.s32 $0x108;
	s8 =	sld [smem:$0x3FB0]  }
0x2e: {  	s3 =	simm.s32 @!p0 $0x1082;
	s9 =	sld [smem:$0x3FB1]  }
0x2f: {  	lr =	sadd.s32 s0, s3;
	s0 =	sld [smem:$0x3FA8]  }
0x30: {  	s3 =	sld [smem:$0x3FAB]  }
0x31: {  	[smem:$0x3FB4] =	sst s10  }
0x32: {  	s10 =	sld [smem:$0x3FB2];
	_ =	sdelay $0x3  }
0x33: {  	p0 =	seq.s32 s10, $0x1;
	s10 =	sld [smem:$0x3FB4];
	_ =	sdelay $0x3  }
0x34: {  	[smem:$0x3FB4] =	sst s10  }
0x35: {  	s10 =	sld [smem:$0x3FB3];
	_ =	sdelay $0x3  }
0x36: {  	p1 =	seq.s32 s10, $0x1;
	s10 =	sld [smem:$0x3FB4];
	_ =	sdelay $0x3  }
0x37: {  	[smem:$0x3FB4] =	sst s10  }
0x38: {  	s10 =	sld [smem:$0x3FB5]  }
0x39: {  	_ = 	snop;
	(pc) =	sbr.ind lr, $3  }
0x3a: {  	_ = 	snop  }
0x3b: {  	_ = 	snop  }
0x3c: {  	p2 =	seq.s32 s10, $0x1;
	s10 =	sld [smem:$0x3FB4]  }
0x3d: {  	_ =	shalt  }
0x3e: {  	_ =	shalt  }
0x3f: {  	_ =	shalt  }
0x40: {  	_ =	shalt  }
0x41: {  	_ =	shalt  }
0x42: {  	_ =	shalt  }
0x43: {  	_ =	shalt  }
0x44: {  	_ =	shalt  }
0x45: {  	_ =	shalt  }
0x46: {  	_ =	shalt  }
0x47: {  	_ =	shalt  }
0x48: {  	_ =	shalt  }
0x49: {  	_ =	shalt  }
0x4a: {  	_ =	shalt  }
0x4b: {  	_ =	shalt  }
0x4c: {  	_ =	shalt  }
0x4d: {  	_ =	shalt  }
0x4e: {  	_ =	shalt  }
0x4f: {  	_ =	shalt  }
0x50: {  	_ =	shalt  }
0x51: {  	_ =	shalt  }
0x52: {  	_ =	shalt  }
0x53: {  	_ =	shalt  }
0x54: {  	_ =	shalt  }
0x55: {  	_ =	shalt  }
0x56: {  	_ =	shalt  }
0x57: {  	_ =	shalt  }
0x58: {  	_ =	shalt  }
0x59: {  	_ =	shalt  }
0x5a: {  	_ =	shalt  }
0x5b: {  	_ =	shalt  }
0x5c: {  	_ =	shalt  }
0x5d: {  	_ =	shalt  }
0x5e: {  	_ =	shalt  }
0x5f: {  	_ =	shalt  }
0x60: {  	_ =	shalt  }
0x61: {  	_ =	shalt  }
0x62: {  	_ =	shalt  }
0x63: {  	_ =	shalt  }
0x64: {  	_ =	shalt  }
0x65: {  	_ =	shalt  }
0x66: {  	_ =	shalt  }
0x67: {  	_ =	shalt  }
0x68: {  	_ =	shalt  }
0x69: {  	_ =	shalt  }
0x6a: {  	_ =	shalt  }
0x6b: {  	_ =	shalt  }
0x6c: {  	_ =	shalt  }
0x6d: {  	_ =	shalt  }
0x6e: {  	_ =	shalt  }
0x6f: {  	_ =	shalt  }
0x70: {  	_ =	shalt  }
0x71: {  	_ =	shalt  }
0x72: {  	_ =	shalt  }
0x73: {  	_ =	shalt  }
0x74: {  	_ =	shalt  }
0x75: {  	_ =	shalt  }
0x76: {  	_ =	shalt  }
0x77: {  	_ =	shalt  }
0x78: {  	_ =	shalt  }
0x79: {  	_ =	shalt  }
0x7a: {  	_ =	shalt  }
0x7b: {  	_ =	shalt  }
0x7c: {  	_ =	shalt  }
0x7d: {  	_ =	shalt  }
0x7e: {  	_ =	shalt  }
0x7f: {  	_ =	shalt  }
0x80: {  	_ =	shalt  }
0x81: {  	_ =	shalt  }
0x82: {  	_ =	shalt  }
0x83: {  	_ =	shalt  }
0x84: {  	_ =	shalt  }
0x85: {  	_ =	shalt  }
0x86: {  	_ =	shalt  }
0x87: {  	_ =	shalt  }
.Lfunc_end0:
.L_simem_size_0:
called_computation.1_lowered:
.L_overlay_start_0:
0x88: {  	s2 =	sld [smem:$0x3FD9]  }
0x89: {  	s3 =	sld [smem:$0x3FFE];
	_ =	sdelay $0x1  }
0x8a: {  	s1 =	srdreg.scid  }
0x8b: {  	s0 =	sand.u32 $0x1, s1  }
0x8c: {  	s14 =	sshll.u32 s0, $0xA;
	s2 =	sadd.s32 s3, s2  }
0x8d: {  	s2 =	sadd.s32 s2, s14  }
0x8e: {  	[smem:$0x3FC0] =	sst s2  }
0x8f: {  	_ = 	snop  }
0x90: {  	s2 =	sld [smem:$0x3FD0];
	_ =	sdelay $0x2  }
0x91: {  	s15 =	simm.s32 $0xA;
	s4 =	simm.s32 $0x10  }
0x92: {  	[smem:s4], [sflag:s15] =	dma.local [hbm:s2], $0x1  }
0x93: {  	_ =	swait.eq [sflag:s15], $0x1  }
0x94: {  	[sflag:s15] =	ssyncset.done $0x0  }
0x95: {  	[sflag:s15] =	ssyncadd.s32 $0xFFFFFFFF  }
0x96: {  	s16 =	sld [smem:$0x11];
	(tm) =	ssettm $0x1  }
0x97: {  	s17 =	sld [smem:$0x3FFB];
	_ =	sdelay $0x3  }
0x98: {  	_ =	strace s17  }
0x99: {  	s3 =	sld [smem:$0x3FFC];
	_ =	sdelay $0x3  }
0x9a: {  	_ =	strace s3  }
0x9b: {  	s3 =	sld [smem:$0x3FFD];
	_ =	sdelay $0x3  }
0x9c: {  	_ =	strace s3  }
0x9d: {  	_ =	strace $0x8FFFFFFF  }
0x9e: {  	s18 =	sld [smem:$0x3FDB];
	_ =	sdelay $0x1  }
0x9f: {  	s19 =	simm.s32 $_scs_section_size  }
0xa0: {  	s5 =	simm.s32 $_size__tile_overlayer_lowered;
	s6 =	simm.s32 $_tile_overlayer_lowered  }
0xa1: {  	s22 =	simm.s32 $0x1BFF;
	s21 =	sshll.u32 s6, $0x1;
	s3 =	sadd.s32 s19, s18  }
0xa2: {  	s7 =	simm.s32 $0x0;
	s20 =	sshll.u32 s5, $0x1;
	s5 =	sadd.s32 s21, s3  }
0xa3: {  	[timem:s7], [sflag:s22] =	dma.local [hbm:s5], s20  }
0xa4: {  	_ =	swait.ge [sflag:s22], s20  }
0xa5: {  	s4 =	ssub.s32 $0x0, s20;
	[sflag:s22] =	ssyncset.done $0x0  }
0xa6: {  	[sflag:s22] =	ssyncadd.s32 s4;
	_ =	sdelay $0x1  }
0xa7: {  	s23 =	simm.s32 $0x1B8B  }
0xa8: {  	_ =	swait.ge [sflag:s23], $0x1  }
0xa9: {  	[sflag:s23] =	ssyncset.done $0x0  }
0xaa: {  	s25 =	simm.s32 $0x1B8E;
	s24 =	sld [smem:$0x3FFE];
	[sflag:s23] =	ssyncadd.s32 $0xFFFFFFFF  }
0xab: {  	s26 =	simm.s32 $execute0_lowered;
	[smem:$0x3FD2] =	sst s25  }
0xac: {  	s5 =	sshll.u32 s26, $0x1;
	_ =	strace $0x80000049;
	[dreg:$0x1] =	wrdreg $0xFFFFFFFF  }
0xad: {  	s28 =	simm.s32 $_size_execute0_lowered;
	s3 =	sadd.s32 s3, s5;
	[dreg:$0x0] =	wrdreg $0x0  }
0xae: {  	s5 =	sshll.u32 s28, $0x1;
	[dreg:$0x2] =	wrdreg s3  }
0xaf: {  	[dreg:$0x3] =	wrdreg s5  }
0xb0: {  	[dreg:$0x4] =	wrdreg $0xC0  }
0xb1: {  	_ =	task [dreg:s7], $0x5FFFF  }
0xb2: {  	[dreg:$0x1] =	wrdreg $0xFFFFFFFF  }
0xb3: {  	[dreg:$0x0] =	wrdreg $0x60  }
0xb4: {  	[dreg:$0x2] =	wrdreg s24  }
0xb5: {  	[dreg:$0x3] =	wrdreg s16  }
0xb6: {  	[dreg:$0x4] =	wrdreg $0x70000  }
0xb7: {  	[dreg:$0x5] =	wrdreg $0x9  }
0xb8: {  	_ =	task.clear_ibuf [dreg:s7], $0x6FFFF;
	_ =	strace $0x90000049  }
0xb9: {  	s29 =	simm.s32 $0x9;
	_ =	strace $0x8000004B  }
0xba: {  	_ =	swait.ge [sflag:s29], $0x1  }
0xbb: {  	[sflag:s29] =	ssyncadd.s32 $0xFFFFFFFF  }
0xbc: {  	_ =	strace $0x9000004B  }
0xbd: {  	_ =	sfence  }
0xbe: {  	s30 =	sld [smem:$0x0];
	_ =	sdelay $0x2  }
0xbf: {  	s31 =	sshll.u32 s1, $0xD;
	s1 =	sshrl.u32 s1, $0x2  }
0xc0: {  	s3 =	sand.u32 $0x4000, s31;
	s1 =	sadd.s32 s1, s30  }
0xc1: {  	s0 =	sor.u32 s3, s0;
	s1 =	sshll.u32 s1, $0x11  }
0xc2: {  	s0 =	sor.u32 s1, s0  }
0xc3: {  	s0 =	sadd.s32 $0x8F2B, s0  }
0xc4: {  	[sflag:s0] =	ssyncadd.remote.s32 $0x1  }
0xc5: {  	_ =	sfence.sel $0xFFFF  }
0xc6: {  	[dreg:$0x0] =	wrdreg $0xFFFFFFFF;
	(pc) =	sbr.abs _section_cstart, $3  }
0xc7: {  	[dreg:$0x1] =	wrdreg $0xFFFFFFFF  }
0xc8: {  	_ =	task.clear_ibuf [dreg:s7], $0x2FFFF;
	_ =	strace $0x9FFFFFFF  }
0xc9: {  	(tm) =	ssettm $0x7FFFFFFF  }
tec
execute0_lowered:
.L_overlay_start_1:
0x0: {  	(tag) =	ssettag $0x1  }
0x1: {  	s6 =	rddreg [dreg:$0x0]  }
0x2: {  	s1 =	rddreg [dreg:$0x1]  }
0x3: {  	s2 =	rddreg [dreg:$0x2];
	s3 =	srdreg.scid  }
0x4: {  	s0 =	rddreg [dreg:$0x3];
	s4 =	simm.s32 $0x0;
	s13 =	simm.s32 $0x80  }
0x5: {  	s14 =	simm.s32 $0x5000;
	s15 =	simm.s32 $0x1;
	s7 =	sand.u32 $0x1, s3  }
0x6: {  	s3 =	stileid.u32;
	[smem:$0x7FF] =	sst s4;
	s5 =	sshll.u32 s7, $0x4  }
0x7: {  	_ =	strace $0x8000004A;
	s9 =	smul.u32 $0x14000, s7;
	s7 =	ssub.s32 $0x2, s7  }
0x8: {  	s11 =	smul.u32 $0xA000, s3;
	s31 =	sshll.u32 s3, $0x6;
	s5 =	sor.u32 s3, s5  }
0x9: {  	s10 =	sshrl.u32 s7, $0x1;
	s8 =	smul.u32 $0x500, s5;
	s5 =	sadd.s32 $0x66E00, s6  }
0xa: {  	s9 =	sadd.s32 s9, s6;
	s10 =	ssub.s32 s7, s10;
	s12 =	sadd.s32 s11, s2  }
0xb: {  	s17 =	sshrl.u32 s11, $0x3;
	s11 =	sor.u32 $0x1C02, s31;
	s16 =	sadd.s32 $0x7A800, s9  }
0xc: {  	s9 =	simm.s32 $0x2;
	s12 =	sshrl.u32 s12, $0x3;
	s8 =	sadd.s32 s8, s6  }
0xd: {  	s16 =	sadd.s32 s17, s16;
	s17 =	simm.s32 $0x0;
	s6 =	sadd.s32 $0xCE00, s8  }
0xe: {  	s7 =	sadd.s32 $0x2E00, s8;
	s8 =	smax.u32 s10, $0x1;
	s10 =	simm.s32 $0x2800  }
.LBB2_1:
0xf: {  	[tilespmem:s4], [sflag:$0x2] =	stream.linear.gather [hbm4b:s6+s4], $0x2800, $0x38;
	[tilespmem:$0x11000] =	vst v63  }
0x10: {  	_ =	swait.ge [sflag:s9], $0x2800  }
0x11: {  	[sflag:s9] =	ssyncset.done $0x0  }
0x12: {  	[sflag:s9] =	ssyncadd.s32 $0xFFFFD800  }
0x13: {  	[tilespmem:s10], [sflag:$0x2] =	stream.linear.gather [hbm4b:s7+s4], $0x2800, $0x38;
	[tilespmem:$0x11000] =	vst v63  }
0x14: {  	_ =	swait.ge [sflag:s9], $0x2800  }
0x15: {  	[sflag:s9] =	ssyncset.done $0x0  }
0x16: {  	[sflag:s9] =	ssyncadd.s32 $0xFFFFD800  }
0x17: {  	[spmem:s12], [sflag:s11] =	dma.local [hbm:s1], $0x1400  }
0x18: {  	_ =	swait.ge [sflag:s9], $0x1400  }
0x19: {  	[sflag:s9] =	ssyncset.done $0x0  }
0x1a: {  	[sflag:s9] =	ssyncadd.s32 $0xFFFFEC00  }
0x1b: {  	s18 =	simm.s32 $0x0;
	[bflag:$0x0] =	sbarrier.arrive $0xFFFF  }
0x1c: {  	[tilespmem:s14], [sflag:$0x1] =	stream.indirect.gather [hbm4b:s5+s13], $0x40, s18, s13, $0xb8;
	[tilespmem:$0x11000] =	vst v63  }
0x1d: {  	_ =	swait.ge [sflag:s15], $0x2000  }
0x1e: {  	[sflag:s15] =	ssyncset.done $0x0  }
0x1f: {  	s31 =	simm.s32 $0x2800;
	[sflag:s15] =	ssyncadd.s32 $0xFFFFE000  }
0x20: {  	[spmem:s2] =	stream.indirect.scatter.add.f32 [tilespmem:s14], [sflag:$0x2], $0x40, s31, s13, $0xb8;
	[tilespmem:$0x11000] =	vst v63  }
0x21: {  	_ =	swait.ge [sflag:s9], $0x2000  }
0x22: {  	s19 =	simm.s32 $0x400;
	s18 =	simm.s32 $0x200;
	[sflag:s9] =	ssyncset.done $0x0  }
.LBB2_2:
0x23: {  	s20 =	sshra.s32 s18, $0x2  }
0x24: {  	[sflag:s9] =	ssyncadd.s32 $0xFFFFE000;
	s18 =	smov.u32 s19;
	s21 =	sadd.s32 $0x200, s19  }
0x25: {  	[tilespmem:s14], [sflag:$0x1] =	stream.indirect.gather [hbm4b:s5+s13], $0x40, s20, s13, $0xb8;
	[tilespmem:$0x11000] =	vst v63  }
0x26: {  	p0 =	sne.s32 s19, $0x9E00;
	_ =	swait.ge [sflag:s15], $0x2000  }
.Ltmp0:
0x27: {  	[sflag:s15] =	ssyncset.done $0x0;
	(pc) =	sbr.rel @p0 .LBB2_2-.Ltmp0, $4  }
0x28: {  	s19 =	sadd.s32 $0x2800, s20;
	[sflag:s15] =	ssyncadd.s32 $0xFFFFE000  }
0x29: {  	[spmem:s2] =	stream.indirect.scatter.add.f32 [tilespmem:s14], [sflag:$0x2], $0x40, s19, s13, $0xb8;
	[tilespmem:$0x11000] =	vst v63  }
0x2a: {  	_ =	swait.ge [sflag:s9], $0x2000  }
0x2b: {  	s19 =	smov.u32 s21;
	[sflag:s9] =	ssyncset.done $0x0  }
0x2c: {  	s18 =	sshra.s32 s18, $0x2;
	[sflag:s9] =	ssyncadd.s32 $0xFFFFE000  }
0x2d: {  	[tilespmem:s14], [sflag:$0x1] =	stream.indirect.gather [hbm4b:s5+s13], $0x40, s18, s13, $0xb8;
	[tilespmem:$0x11000] =	vst v63  }
0x2e: {  	_ =	swait.ge [sflag:s15], $0x2000  }
0x2f: {  	[sflag:s15] =	ssyncset.done $0x0  }
0x30: {  	s18 =	sadd.s32 $0x2800, s18;
	[sflag:s15] =	ssyncadd.s32 $0xFFFFE000  }
0x31: {  	[spmem:s2] =	stream.indirect.scatter.add.f32 [tilespmem:s14], [sflag:$0x2], $0x40, s18, s13, $0xb8;
	[tilespmem:$0x11000] =	vst v63  }
0x32: {  	_ =	swait.ge [sflag:s9], $0x2000  }
0x33: {  	s17 =	sadd.s32 $0x1, s17;
	[sflag:s9] =	ssyncset.done $0x0  }
0x34: {  	p0 =	sne.s32 s17, s8;
	[sflag:s9] =	ssyncadd.s32 $0xFFFFE000  }
.Ltmp1:
0x35: {  	[bflag:$0x0] =	sbarrier.arrive $0xFFFF;
	(pc) =	sbr.rel @p0 .LBB2_1-.Ltmp1, $4  }
0x36: {  	[hbm:s16], [sflag:s11] =	dma.local [spmem:s12], $0x1400  }
0x37: {  	_ =	swait.ge [sflag:s9], $0x1400  }
0x38: {  	[sflag:s9] =	ssyncset.done $0x0  }
0x39: {  	[sflag:s9] =	ssyncadd.s32 $0xFFFFEC00  }
0x3a: {  	_ =	sfence.sel $0x180000  }
0x3b: {  	[bflag:$0x0] =	sbarrier.arrive $0xFFFF  }
0x3c: {  	p0 =	sne.s32 s3, $0x0;
	_ =	strace $0x9000004A  }
0x3d: {  	s0 =	sadd.s32 @!p0 $0x100000, s0;
	[bflag:$0x2] =	sbarrier.arrive $0xFFFF  }
0x3e: {  	[sflag:s0] =	ssyncadd.tile.s32 @!p0 $0x1;
	_ =	shalt  }
.Lfunc_end2:
_tile_overlayer_lowered:
.L_overlay_start_2:
0x3f: {  	(tag) =	ssettag $0x2  }
0x40: {  	s0 =	rddreg [dreg:$0x0];
	s2 =	stileid.u32  }
0x41: {  	s1 =	rddreg [dreg:$0x1];
	p0 =	sne.s32 s2, $0x0  }
0x42: {  	s3 =	rddreg [dreg:$0x2];
	[bflag:$0x3] =	sbarrier.arrive $0xFFFF;
	s2 =	simm.s32 @!p0 $0x1C02  }
0x43: {  	[timem:s3], [sflag:s2] =	dma.local @!p0 [hbm:s0], s1  }
0x44: {  	s0 =	simm.s32 @!p0 $0x2  }
0x45: {  	_ =	swait.ge @!p0 [sflag:s0], s1  }
0x46: {  	s1 =	ssub.s32 @!p0 $0x0, s1;
	[sflag:s0] =	ssyncset.done @!p0 $0x0  }
0x47: {  	[sflag:s0] =	ssyncadd.s32 @!p0 s1  }
0x48: {  	[bflag:$0x3] =	sbarrier.arrive $0xFFFF  }
0x49: {  	_ =	shalt  }

// kernel: kernel.16.cloned.1.call-start
scs
__scs_entry_jumppad:
0x0: {  	(pc) =	sbr.rel $0x88, $3  }
0x1: {  	(tag) =	ssettag $0x0;
	lr =	simm.s32 $0x1  }
0x2: {  	[smem:$0x3F99] =	sst lr;
	_ =	strace $0xD0000000  }
0x3: {  	_ = 	snop  }
0x4: {  	_ = 	snop  }
0x5: {  	_ = 	snop  }
0x6: {  	_ = 	snop  }
0x7: {  	_ = 	snop  }
__scs_overlays_trampoline_lowered:
0x8: {  	[smem:$0x3FA8] =	sst s0  }
0x9: {  	[smem:$0x3FA9] =	sst s1  }
0xa: {  	[smem:$0x3FAA] =	sst s2  }
0xb: {  	[smem:$0x3FAB] =	sst s3  }
0xc: {  	[smem:$0x3FAC] =	sst s4  }
0xd: {  	[smem:$0x3FAD] =	sst s5  }
0xe: {  	[smem:$0x3FAE] =	sst s6  }
0xf: {  	[smem:$0x3FAF] =	sst s7  }
0x10: {  	[smem:$0x3FB0] =	sst s8  }
0x11: {  	[smem:$0x3FB1] =	sst s9;
	s0 =	simm.s32 @!p0 $0x0  }
0x12: {  	s1 =	sld [smem:$0x3F97];
	s0 =	simm.s32 @p0 $0x1  }
0x13: {  	[smem:$0x3FB2] =	sst s0;
	s0 =	simm.s32 @!p1 $0x0  }
0x14: {  	s2 =	sld [smem:$0x3F96];
	s0 =	simm.s32 @p1 $0x1  }
0x15: {  	[smem:$0x3FB3] =	sst s0;
	s0 =	simm.s32 @!p2 $0x0  }
0x16: {  	s3 =	sld [smem:$0x3FDB];
	s0 =	simm.s32 @p2 $0x1  }
0x17: {  	s4 =	simm.s32 $0x1BF5;
	[smem:$0x3FB5] =	sst s0  }
0x18: {  	s0 =	sld [smem:$0x3F98];
	_ =	swait.ge [sflag:s4], $0x0  }
0x19: {  	s7 =	sld [smem:$0x3F99]  }
0x1a: {  	s8 =	sadd.s32 $0xFFFFE003, lr  }
0x1b: {  	s9 =	sadd.s32 $0xFFFFFEF7, lr;
	s5 =	simm.s32 $0xFFFFFFFF;
	p2 =	slt.u32 s8, $0xFFFFF086  }
0x1c: {  	p1 =	slt.u32 s9, $0xF7A;
	s5 =	simm.s32 @!p2 $0x0  }
0x1d: {  	s5 =	simm.s32 @p1 $0x1;
	p0 =	seq.s32 s7, s2  }
0x1e: {  	s7 =	smul.u32 @!p0 $0xF7A, s2;
	p2 =	seq.s32 @!p0 s5, $0x0  }
0x1f: {  	s9 =	smul.u32 $0xF7A, s1;
	s8 =	simm.s32 @!p0 $0x1BF5;
	p2 =	por !p2, p0  }
0x20: {  	[sflag:s8] =	ssyncset.s32 @!p0 $0xFFFFF086;
	s6 =	sadd.s32 @!p0 s3, s7;
	s7 =	simm.s32 @!p0 $0x108  }
0x21: {  	s3 =	sadd.s32 s3, s9;
	s6 =	sadd.s32 @!p0 $0x88, s6;
	s7 =	simm.s32 @p2 $0x1082  }
0x22: {  	[simem:s7], [sflag:s8] =	dma.local @!p0 [hbm:s6], $0xF7A  }
0x23: {  	s9 =	sor.u32 $0xD0000000, s2;
	s6 =	simm.s32 $0x108;
	_ =	swait.ge @!p0 [sflag:s8], $0x0  }
0x24: {  	s3 =	sadd.s32 $0x88, s3;
	s6 =	simm.s32 @!p1 $0x1082;
	[sflag:s4] =	ssyncset.s32 $0xFFFFF086  }
0x25: {  	[simem:s6], [sflag:s4] =	dma.local [hbm:s3], $0xF7A  }
0x26: {  	[smem:$0x3F99] =	sst s1;
	(tag) =	ssettag s2;
	_ =	strace s9  }
0x27: {  	s1 =	sld [smem:$0x3FA9]  }
0x28: {  	s2 =	sld [smem:$0x3FAA]  }
0x29: {  	s4 =	sld [smem:$0x3FAC]  }
0x2a: {  	p0 =	seq.s32 s5, $0x0;
	s5 =	sld [smem:$0x3FAD]  }
0x2b: {  	s6 =	sld [smem:$0x3FAE]  }
0x2c: {  	s7 =	sld [smem:$0x3FAF]  }
0x2d: {  	s3 =	simm.s32 $0x108;
	s8 =	sld [smem:$0x3FB0]  }
0x2e: {  	s3 =	simm.s32 @!p0 $0x1082;
	s9 =	sld [smem:$0x3FB1]  }
0x2f: {  	lr =	sadd.s32 s0, s3;
	s0 =	sld [smem:$0x3FA8]  }
0x30: {  	s3 =	sld [smem:$0x3FAB]  }
0x31: {  	[smem:$0x3FB4] =	sst s10  }
0x32: {  	s10 =	sld [smem:$0x3FB2];
	_ =	sdelay $0x3  }
0x33: {  	p0 =	seq.s32 s10, $0x1;
	s10 =	sld [smem:$0x3FB4];
	_ =	sdelay $0x3  }
0x34: {  	[smem:$0x3FB4] =	sst s10  }
0x35: {  	s10 =	sld [smem:$0x3FB3];
	_ =	sdelay $0x3  }
0x36: {  	p1 =	seq.s32 s10, $0x1;
	s10 =	sld [smem:$0x3FB4];
	_ =	sdelay $0x3  }
0x37: {  	[smem:$0x3FB4] =	sst s10  }
0x38: {  	s10 =	sld [smem:$0x3FB5]  }
0x39: {  	_ = 	snop;
	(pc) =	sbr.ind lr, $3  }
0x3a: {  	_ = 	snop  }
0x3b: {  	_ = 	snop  }
0x3c: {  	p2 =	seq.s32 s10, $0x1;
	s10 =	sld [smem:$0x3FB4]  }
0x3d: {  	_ =	shalt  }
0x3e: {  	_ =	shalt  }
0x3f: {  	_ =	shalt  }
0x40: {  	_ =	shalt  }
0x41: {  	_ =	shalt  }
0x42: {  	_ =	shalt  }
0x43: {  	_ =	shalt  }
0x44: {  	_ =	shalt  }
0x45: {  	_ =	shalt  }
0x46: {  	_ =	shalt  }
0x47: {  	_ =	shalt  }
0x48: {  	_ =	shalt  }
0x49: {  	_ =	shalt  }
0x4a: {  	_ =	shalt  }
0x4b: {  	_ =	shalt  }
0x4c: {  	_ =	shalt  }
0x4d: {  	_ =	shalt  }
0x4e: {  	_ =	shalt  }
0x4f: {  	_ =	shalt  }
0x50: {  	_ =	shalt  }
0x51: {  	_ =	shalt  }
0x52: {  	_ =	shalt  }
0x53: {  	_ =	shalt  }
0x54: {  	_ =	shalt  }
0x55: {  	_ =	shalt  }
0x56: {  	_ =	shalt  }
0x57: {  	_ =	shalt  }
0x58: {  	_ =	shalt  }
0x59: {  	_ =	shalt  }
0x5a: {  	_ =	shalt  }
0x5b: {  	_ =	shalt  }
0x5c: {  	_ =	shalt  }
0x5d: {  	_ =	shalt  }
0x5e: {  	_ =	shalt  }
0x5f: {  	_ =	shalt  }
0x60: {  	_ =	shalt  }
0x61: {  	_ =	shalt  }
0x62: {  	_ =	shalt  }
0x63: {  	_ =	shalt  }
0x64: {  	_ =	shalt  }
0x65: {  	_ =	shalt  }
0x66: {  	_ =	shalt  }
0x67: {  	_ =	shalt  }
0x68: {  	_ =	shalt  }
0x69: {  	_ =	shalt  }
0x6a: {  	_ =	shalt  }
0x6b: {  	_ =	shalt  }
0x6c: {  	_ =	shalt  }
0x6d: {  	_ =	shalt  }
0x6e: {  	_ =	shalt  }
0x6f: {  	_ =	shalt  }
0x70: {  	_ =	shalt  }
0x71: {  	_ =	shalt  }
0x72: {  	_ =	shalt  }
0x73: {  	_ =	shalt  }
0x74: {  	_ =	shalt  }
0x75: {  	_ =	shalt  }
0x76: {  	_ =	shalt  }
0x77: {  	_ =	shalt  }
0x78: {  	_ =	shalt  }
0x79: {  	_ =	shalt  }
0x7a: {  	_ =	shalt  }
0x7b: {  	_ =	shalt  }
0x7c: {  	_ =	shalt  }
0x7d: {  	_ =	shalt  }
0x7e: {  	_ =	shalt  }
0x7f: {  	_ =	shalt  }
0x80: {  	_ =	shalt  }
0x81: {  	_ =	shalt  }
0x82: {  	_ =	shalt  }
0x83: {  	_ =	shalt  }
0x84: {  	_ =	shalt  }
0x85: {  	_ =	shalt  }
0x86: {  	_ =	shalt  }
0x87: {  	_ =	shalt  }
.Lfunc_end0:
.L_simem_size_0:
called_computation.2_lowered:
.L_overlay_start_0:
0x88: {  	s2 =	sld [smem:$0x3FD9]  }
0x89: {  	s3 =	sld [smem:$0x3FFE];
	_ =	sdelay $0x1  }
0x8a: {  	s1 =	srdreg.scid  }
0x8b: {  	s0 =	sand.u32 $0x1, s1  }
0x8c: {  	s14 =	sshll.u32 s0, $0xA;
	s2 =	sadd.s32 s3, s2  }
0x8d: {  	s2 =	sadd.s32 s2, s14  }
0x8e: {  	[smem:$0x3FC0] =	sst s2  }
0x8f: {  	_ = 	snop  }
0x90: {  	s2 =	sld [smem:$0x3FD0];
	_ =	sdelay $0x2  }
0x91: {  	s15 =	simm.s32 $0xA;
	s4 =	simm.s32 $0x10  }
0x92: {  	[smem:s4], [sflag:s15] =	dma.local [hbm:s2], $0x1  }
0x93: {  	_ =	swait.eq [sflag:s15], $0x1  }
0x94: {  	[sflag:s15] =	ssyncset.done $0x0  }
0x95: {  	s16 =	sld [smem:$0x10];
	[sflag:s15] =	ssyncadd.s32 $0xFFFFFFFF  }
0x96: {  	s17 =	sld [smem:$0x11];
	(tm) =	ssettm $0x1  }
0x97: {  	s18 =	sld [smem:$0x3FFB];
	_ =	sdelay $0x3  }
0x98: {  	_ =	strace s18  }
0x99: {  	s4 =	sld [smem:$0x3FFC];
	_ =	sdelay $0x3  }
0x9a: {  	_ =	strace s4  }
0x9b: {  	s4 =	sld [smem:$0x3FFD];
	_ =	sdelay $0x3  }
0x9c: {  	_ =	strace s4  }
0x9d: {  	_ =	strace $0x8FFFFFFF  }
0x9e: {  	s19 =	sld [smem:$0x3FDB];
	_ =	sdelay $0x1  }
0x9f: {  	s5 =	simm.s32 $_scs_section_size  }
0xa0: {  	s6 =	simm.s32 $_size__tile_overlayer_lowered;
	s7 =	simm.s32 $_tile_overlayer_lowered  }
0xa1: {  	s22 =	simm.s32 $0x1BFF;
	s21 =	sshll.u32 s7, $0x1;
	s4 =	sadd.s32 s5, s19  }
0xa2: {  	s8 =	simm.s32 $0x0;
	s20 =	sshll.u32 s6, $0x1;
	s6 =	sadd.s32 s21, s4  }
0xa3: {  	[timem:s8], [sflag:s22] =	dma.local [hbm:s6], s20  }
0xa4: {  	_ =	swait.ge [sflag:s22], s20  }
0xa5: {  	s5 =	ssub.s32 $0x0, s20;
	[sflag:s22] =	ssyncset.done $0x0  }
0xa6: {  	[sflag:s22] =	ssyncadd.s32 s5;
	_ =	sdelay $0x1  }
0xa7: {  	s23 =	simm.s32 $0x1B8B  }
0xa8: {  	_ =	swait.ge [sflag:s23], $0x1  }
0xa9: {  	[sflag:s23] =	ssyncset.done $0x0  }
0xaa: {  	s25 =	simm.s32 $0x1B8E;
	s24 =	sld [smem:$0x3FFE];
	[sflag:s23] =	ssyncadd.s32 $0xFFFFFFFF  }
0xab: {  	s26 =	simm.s32 $execute0_lowered;
	[smem:$0x3FD2] =	sst s25  }
0xac: {  	s6 =	sshll.u32 s26, $0x1;
	_ =	strace $0x8000004C;
	[dreg:$0x1] =	wrdreg $0xFFFFFFFF  }
0xad: {  	s28 =	simm.s32 $_size_execute0_lowered;
	s4 =	sadd.s32 s4, s6;
	[dreg:$0x0] =	wrdreg $0x0  }
0xae: {  	s6 =	sshll.u32 s28, $0x1;
	[dreg:$0x2] =	wrdreg s4  }
0xaf: {  	[dreg:$0x3] =	wrdreg s6  }
0xb0: {  	[dreg:$0x4] =	wrdreg $0xC0  }
0xb1: {  	_ =	task [dreg:s8], $0x5FFFF  }
0xb2: {  	[dreg:$0x1] =	wrdreg $0xFFFFFFFF  }
0xb3: {  	[dreg:$0x0] =	wrdreg $0x60  }
0xb4: {  	[dreg:$0x2] =	wrdreg s17  }
0xb5: {  	[dreg:$0x3] =	wrdreg s24  }
0xb6: {  	[dreg:$0x4] =	wrdreg s16  }
0xb7: {  	[dreg:$0x5] =	wrdreg $0x60000  }
0xb8: {  	[dreg:$0x6] =	wrdreg $0x9  }
0xb9: {  	_ =	task.clear_ibuf [dreg:s8], $0x7FFFF;
	_ =	strace $0x9000004C  }
0xba: {  	s29 =	simm.s32 $0x9;
	_ =	strace $0x8000004E  }
0xbb: {  	_ =	swait.ge [sflag:s29], $0x1  }
0xbc: {  	[sflag:s29] =	ssyncadd.s32 $0xFFFFFFFF  }
0xbd: {  	_ =	strace $0x9000004E  }
0xbe: {  	_ =	sfence  }
0xbf: {  	s30 =	sld [smem:$0x0];
	_ =	sdelay $0x2  }
0xc0: {  	s31 =	sshll.u32 s1, $0xD;
	s1 =	sshrl.u32 s1, $0x2  }
0xc1: {  	s3 =	sand.u32 $0x4000, s31;
	s1 =	sadd.s32 s1, s30  }
0xc2: {  	s0 =	sor.u32 s3, s0;
	s1 =	sshll.u32 s1, $0x11  }
0xc3: {  	s0 =	sor.u32 s1, s0  }
0xc4: {  	s0 =	sadd.s32 $0x8F2B, s0  }
0xc5: {  	[sflag:s0] =	ssyncadd.remote.s32 $0x1  }
0xc6: {  	_ =	sfence.sel $0xFFFF  }
0xc7: {  	[dreg:$0x0] =	wrdreg $0xFFFFFFFF;
	(pc) =	sbr.abs _section_cstart, $3  }
0xc8: {  	[dreg:$0x1] =	wrdreg $0xFFFFFFFF  }
0xc9: {  	_ =	task.clear_ibuf [dreg:s8], $0x2FFFF;
	_ =	strace $0x9FFFFFFF  }
0xca: {  	(tm) =	ssettm $0x7FFFFFFF  }
0xcb: {  	_ =	shalt  }
tec
execute0_lowered:
.L_overlay_start_1:
0x0: {  	(tag) =	ssettag $0x1  }
0x1: {  	s0 =	rddreg [dreg:$0x0]  }
0x2: {  	s6 =	rddreg [dreg:$0x1]  }
0x3: {  	s1 =	srdreg.scid;
	s3 =	rddreg [dreg:$0x2]  }
0x4: {  	s4 =	rddreg [dreg:$0x3];
	s2 =	stileid.u32;
	s5 =	simm.s32 $0x0  }
0x5: {  	s13 =	simm.s32 $0x80;
	s7 =	sand.u32 $0x1, s1;
	s1 =	rddreg [dreg:$0x4]  }
0x6: {  	s14 =	simm.s32 $0x5000;
	s15 =	simm.s32 $0x1;
	[smem:$0x7FF] =	sst s5  }
0x7: {  	s11 =	smul.u32 $0x5000, s2;
	s31 =	sshll.u32 s2, $0x6;
	s8 =	sshll.u32 s7, $0x4  }
0x8: {  	_ =	strace $0x8000004D;
	s9 =	smul.u32 $0xA000, s7;
	s7 =	ssub.s32 $0x2, s7  }
0x9: {  	s8 =	sor.u32 s2, s8;
	s10 =	sshrl.u32 s7, $0x1;
	s12 =	sadd.s32 s11, s4  }
0xa: {  	s17 =	sshrl.u32 s11, $0x3;
	s11 =	sor.u32 $0x1C02, s31;
	s8 =	smul.u32 $0x500, s8  }
0xb: {  	s9 =	sadd.s32 s9, s6;
	s10 =	ssub.s32 s7, s10;
	s12 =	sshrl.u32 s12, $0x3  }
0xc: {  	s16 =	sadd.s32 $0x66E00, s9;
	s9 =	simm.s32 $0x2;
	s8 =	sadd.s32 s8, s6  }
0xd: {  	s16 =	sadd.s32 s17, s16;
	s17 =	simm.s32 $0x0;
	s6 =	sadd.s32 $0xCE00, s8  }
0xe: {  	s7 =	sadd.s32 $0x2E00, s8;
	s8 =	smax.u32 s10, $0x1;
	s10 =	simm.s32 $0x2800  }
.LBB2_1:
0xf: {  	[tilespmem:s5], [sflag:$0x2] =	stream.linear.gather [hbm4b:s6+s5], $0x2800, $0x38;
	[tilespmem:$0xB000] =	vst v63  }
0x10: {  	_ =	swait.ge [sflag:s9], $0x2800  }
0x11: {  	[sflag:s9] =	ssyncset.done $0x0  }
0x12: {  	[sflag:s9] =	ssyncadd.s32 $0xFFFFD800  }
0x13: {  	[tilespmem:s10], [sflag:$0x2] =	stream.linear.gather [hbm4b:s7+s5], $0x2800, $0x38;
	[tilespmem:$0xB000] =	vst v63  }
0x14: {  	_ =	swait.ge [sflag:s9], $0x2800  }
0x15: {  	[sflag:s9] =	ssyncset.done $0x0  }
0x16: {  	[sflag:s9] =	ssyncadd.s32 $0xFFFFD800  }
0x17: {  	[spmem:s12], [sflag:s11] =	dma.local [hbm:s3], $0xA00  }
0x18: {  	_ =	swait.ge [sflag:s9], $0xA00  }
0x19: {  	[sflag:s9] =	ssyncset.done $0x0  }
0x1a: {  	[sflag:s9] =	ssyncadd.s32 $0xFFFFF600  }
0x1b: {  	s18 =	simm.s32 $0x0;
	[bflag:$0x0] =	sbarrier.arrive $0xFFFF  }
0x1c: {  	[tilespmem:s14], [sflag:$0x1] =	stream.indirect.gather [hbm4b:s0+s13], $0x20, s18, s13, $0xb8;
	[tilespmem:$0xB000] =	vst v63  }
0x1d: {  	_ =	swait.ge [sflag:s15], $0x1000  }
0x1e: {  	[sflag:s15] =	ssyncset.done $0x0  }
0x1f: {  	s31 =	simm.s32 $0x2800;
	[sflag:s15] =	ssyncadd.s32 $0xFFFFF000  }
0x20: {  	[spmem:s4] =	stream.indirect.scatter.add.f32 [tilespmem:s14], [sflag:$0x2], $0x20, s31, s13, $0xb8;
	[tilespmem:$0xB000] =	vst v63  }
0x21: {  	_ =	swait.ge [sflag:s9], $0x1000  }
0x22: {  	s19 =	simm.s32 $0x400;
	s18 =	simm.s32 $0x200;
	[sflag:s9] =	ssyncset.done $0x0  }
.LBB2_2:
0x23: {  	s20 =	sshra.s32 s18, $0x2  }
0x24: {  	[sflag:s9] =	ssyncadd.s32 $0xFFFFF000;
	s18 =	smov.u32 s19;
	s21 =	sadd.s32 $0x200, s19  }
0x25: {  	[tilespmem:s14], [sflag:$0x1] =	stream.indirect.gather [hbm4b:s0+s13], $0x20, s20, s13, $0xb8;
	[tilespmem:$0xB000] =	vst v63  }
0x26: {  	p0 =	sne.s32 s19, $0x9E00;
	_ =	swait.ge [sflag:s15], $0x1000  }
.Ltmp0:
0x27: {  	[sflag:s15] =	ssyncset.done $0x0;
	(pc) =	sbr.rel @p0 .LBB2_2-.Ltmp0, $4  }
0x28: {  	s19 =	sadd.s32 $0x2800, s20;
	[sflag:s15] =	ssyncadd.s32 $0xFFFFF000  }
0x29: {  	[spmem:s4] =	stream.indirect.scatter.add.f32 [tilespmem:s14], [sflag:$0x2], $0x20, s19, s13, $0xb8;
	[tilespmem:$0xB000] =	vst v63  }
0x2a: {  	_ =	swait.ge [sflag:s9], $0x1000  }
0x2b: {  	s19 =	smov.u32 s21;
	[sflag:s9] =	ssyncset.done $0x0  }
0x2c: {  	s18 =	sshra.s32 s18, $0x2;
	[sflag:s9] =	ssyncadd.s32 $0xFFFFF000  }
0x2d: {  	[tilespmem:s14], [sflag:$0x1] =	stream.indirect.gather [hbm4b:s0+s13], $0x20, s18, s13, $0xb8;
	[tilespmem:$0xB000] =	vst v63  }
0x2e: {  	_ =	swait.ge [sflag:s15], $0x1000  }
0x2f: {  	[sflag:s15] =	ssyncset.done $0x0  }
0x30: {  	s18 =	sadd.s32 $0x2800, s18;
	[sflag:s15] =	ssyncadd.s32 $0xFFFFF000  }
0x31: {  	[spmem:s4] =	stream.indirect.scatter.add.f32 [tilespmem:s14], [sflag:$0x2], $0x20, s18, s13, $0xb8;
	[tilespmem:$0xB000] =	vst v63  }
0x32: {  	_ =	swait.ge [sflag:s9], $0x1000  }
0x33: {  	s17 =	sadd.s32 $0x1, s17;
	[sflag:s9] =	ssyncset.done $0x0  }
0x34: {  	p0 =	sne.s32 s17, s8;
	[sflag:s9] =	ssyncadd.s32 $0xFFFFF000  }
.Ltmp1:
0x35: {  	[bflag:$0x0] =	sbarrier.arrive $0xFFFF;
	(pc) =	sbr.rel @p0 .LBB2_1-.Ltmp1, $4  }
0x36: {  	[hbm:s16], [sflag:s11] =	dma.local [spmem:s12], $0xA00  }
0x37: {  	_ =	swait.ge [sflag:s9], $0xA00  }
0x38: {  	[sflag:s9] =	ssyncset.done $0x0  }
0x39: {  	[sflag:s9] =	ssyncadd.s32 $0xFFFFF600  }
0x3a: {  	_ =	sfence.sel $0x180000  }
0x3b: {  	[bflag:$0x0] =	sbarrier.arrive $0xFFFF  }
0x3c: {  	p0 =	sne.s32 s2, $0x0;
	_ =	strace $0x9000004D  }
0x3d: {  	s0 =	sadd.s32 @!p0 $0x100000, s1;
	[bflag:$0x2] =	sbarrier.arrive $0xFFFF  }
0x3e: {  	[sflag:s0] =	ssyncadd.tile.s32 @!p0 $0x1;
	_ =	shalt  }
.Lfunc_end2:
_tile_overlayer_lowered:
.L_overlay_start_2:
0x3f: {  	(tag) =	ssettag $0x2  }
0x40: {  	s0 =	rddreg [dreg:$0x0];
	s2 =	stileid.u32  }
0x41: {  	s1 =	rddreg [dreg:$0x1];
	p0 =	sne.s32 s2, $0x0  }
0x42: {  	s3 =	rddreg [dreg:$0x2];
	[bflag:$0x3] =	sbarrier.arrive $0xFFFF;
	s2 =	simm.s32 @!p0 $0x1C02  }
0x43: {  	[timem:s3], [sflag:s2] =	dma.local @!p0 [hbm:s0], s1  }
0x44: {  	s0 =	simm.s32 @!p0 $0x2  }
0x45: {  	_ =	swait.ge @!p0 [sflag:s0], s1  }
0x46: {  	s1 =	ssub.s32 @!p0 $0x0, s1;
	[sflag:s0] =	ssyncset.done @!p0 $0x0  }
0x47: {  	[sflag:s0] =	ssyncadd.s32 @!p0 s1  }
0x48: {  	[bflag:$0x3] =	sbarrier.arrive $0xFFFF  }
0x49: {  	_ =	shalt  }

// kernel: kernel.19.cloned.1.call-start
scs
__scs_entry_jumppad:
0x0: {  	(pc) =	sbr.rel $0x88, $3  }
0x1: {  	(tag) =	ssettag $0x0;
	lr =	simm.s32 $0x1  }
0x2: {  	[smem:$0x3F99] =	sst lr;
	_ =	strace $0xD0000000  }
0x3: {  	_ = 	snop  }
0x4: {  	_ = 	snop  }
0x5: {  	_ = 	snop  }
0x6: {  	_ = 	snop  }
0x7: {  	_ = 	snop  }
__scs_overlays_trampoline_lowered:
0x8: {  	[smem:$0x3FA8] =	sst s0  }
0x9: {  	[smem:$0x3FA9] =	sst s1  }
0xa: {  	[smem:$0x3FAA] =	sst s2  }
0xb: {  	[smem:$0x3FAB] =	sst s3  }
0xc: {  	[smem:$0x3FAC] =	sst s4  }
0xd: {  	[smem:$0x3FAD] =	sst s5  }
0xe: {  	[smem:$0x3FAE] =	sst s6  }
0xf: {  	[smem:$0x3FAF] =	sst s7  }
0x10: {  	[smem:$0x3FB0] =	sst s8  }
0x11: {  	[smem:$0x3FB1] =	sst s9;
	s0 =	simm.s32 @!p0 $0x0  }
0x12: {  	s1 =	sld [smem:$0x3F97];
	s0 =	simm.s32 @p0 $0x1  }
0x13: {  	[smem:$0x3FB2] =	sst s0;
	s0 =	simm.s32 @!p1 $0x0  }
0x14: {  	s2 =	sld [smem:$0x3F96];
	s0 =	simm.s32 @p1 $0x1  }
0x15: {  	[smem:$0x3FB3] =	sst s0;
	s0 =	simm.s32 @!p2 $0x0  }
0x16: {  	s3 =	sld [smem:$0x3FDB];
	s0 =	simm.s32 @p2 $0x1  }
0x17: {  	s4 =	simm.s32 $0x1BF5;
	[smem:$0x3FB5] =	sst s0  }
0x18: {  	s0 =	sld [smem:$0x3F98];
	_ =	swait.ge [sflag:s4], $0x0  }
0x19: {  	s7 =	sld [smem:$0x3F99]  }
0x1a: {  	s8 =	sadd.s32 $0xFFFFE003, lr  }
0x1b: {  	s9 =	sadd.s32 $0xFFFFFEF7, lr;
	s5 =	simm.s32 $0xFFFFFFFF;
	p2 =	slt.u32 s8, $0xFFFFF086  }
0x1c: {  	p1 =	slt.u32 s9, $0xF7A;
	s5 =	simm.s32 @!p2 $0x0  }
0x1d: {  	s5 =	simm.s32 @p1 $0x1;
	p0 =	seq.s32 s7, s2  }
0x1e: {  	s7 =	smul.u32 @!p0 $0xF7A, s2;
	p2 =	seq.s32 @!p0 s5, $0x0  }
0x1f: {  	s9 =	smul.u32 $0xF7A, s1;
	s8 =	simm.s32 @!p0 $0x1BF5;
	p2 =	por !p2, p0  }
0x20: {  	[sflag:s8] =	ssyncset.s32 @!p0 $0xFFFFF086;
	s6 =	sadd.s32 @!p0 s3, s7;
	s7 =	simm.s32 @!p0 $0x108  }
0x21: {  	s3 =	sadd.s32 s3, s9;
	s6 =	sadd.s32 @!p0 $0x88, s6;
	s7 =	simm.s32 @p2 $0x1082  }
0x22: {  	[simem:s7], [sflag:s8] =	dma.local @!p0 [hbm:s6], $0xF7A  }
0x23: {  	s9 =	sor.u32 $0xD0000000, s2;
	s6 =	simm.s32 $0x108;
	_ =	swait.ge @!p0 [sflag:s8], $0x0  }
0x24: {  	s3 =	sadd.s32 $0x88, s3;
	s6 =	simm.s32 @!p1 $0x1082;
	[sflag:s4] =	ssyncset.s32 $0xFFFFF086  }
0x25: {  	[simem:s6], [sflag:s4] =	dma.local [hbm:s3], $0xF7A  }
0x26: {  	[smem:$0x3F99] =	sst s1;
	(tag) =	ssettag s2;
	_ =	strace s9  }
0x27: {  	s1 =	sld [smem:$0x3FA9]  }
0x28: {  	s2 =	sld [smem:$0x3FAA]  }
0x29: {  	s4 =	sld [smem:$0x3FAC]  }
0x2a: {  	p0 =	seq.s32 s5, $0x0;
	s5 =	sld [smem:$0x3FAD]  }
0x2b: {  	s6 =	sld [smem:$0x3FAE]  }
0x2c: {  	s7 =	sld [smem:$0x3FAF]  }
0x2d: {  	s3 =	simm.s32 $0x108;
	s8 =	sld [smem:$0x3FB0]  }
0x2e: {  	s3 =	simm.s32 @!p0 $0x1082;
	s9 =	sld [smem:$0x3FB1]  }
0x2f: {  	lr =	sadd.s32 s0, s3;
	s0 =	sld [smem:$0x3FA8]  }
0x30: {  	s3 =	sld [smem:$0x3FAB]  }
0x31: {  	[smem:$0x3FB4] =	sst s10  }
0x32: {  	s10 =	sld [smem:$0x3FB2];
	_ =	sdelay $0x3  }
0x33: {  	p0 =	seq.s32 s10, $0x1;
	s10 =	sld [smem:$0x3FB4];
	_ =	sdelay $0x3  }
0x34: {  	[smem:$0x3FB4] =	sst s10  }
0x35: {  	s10 =	sld [smem:$0x3FB3];
	_ =	sdelay $0x3  }
0x36: {  	p1 =	seq.s32 s10, $0x1;
	s10 =	sld [smem:$0x3FB4];
	_ =	sdelay $0x3  }
0x37: {  	[smem:$0x3FB4] =	sst s10  }
0x38: {  	s10 =	sld [smem:$0x3FB5]  }
0x39: {  	_ = 	snop;
	(pc) =	sbr.ind lr, $3  }
0x3a: {  	_ = 	snop  }
0x3b: {  	_ = 	snop  }
0x3c: {  	p2 =	seq.s32 s10, $0x1;
	s10 =	sld [smem:$0x3FB4]  }
0x3d: {  	_ =	shalt  }
0x3e: {  	_ =	shalt  }
0x3f: {  	_ =	shalt  }
0x40: {  	_ =	shalt  }
0x41: {  	_ =	shalt  }
0x42: {  	_ =	shalt  }
0x43: {  	_ =	shalt  }
0x44: {  	_ =	shalt  }
0x45: {  	_ =	shalt  }
0x46: {  	_ =	shalt  }
0x47: {  	_ =	shalt  }
0x48: {  	_ =	shalt  }
0x49: {  	_ =	shalt  }
0x4a: {  	_ =	shalt  }
0x4b: {  	_ =	shalt  }
0x4c: {  	_ =	shalt  }
0x4d: {  	_ =	shalt  }
0x4e: {  	_ =	shalt  }
0x4f: {  	_ =	shalt  }
0x50: {  	_ =	shalt  }
0x51: {  	_ =	shalt  }
0x52: {  	_ =	shalt  }
0x53: {  	_ =	shalt  }
0x54: {  	_ =	shalt  }
0x55: {  	_ =	shalt  }
0x56: {  	_ =	shalt  }
0x57: {  	_ =	shalt  }
0x58: {  	_ =	shalt  }
0x59: {  	_ =	shalt  }
0x5a: {  	_ =	shalt  }
0x5b: {  	_ =	shalt  }
0x5c: {  	_ =	shalt  }
0x5d: {  	_ =	shalt  }
0x5e: {  	_ =	shalt  }
0x5f: {  	_ =	shalt  }
0x60: {  	_ =	shalt  }
0x61: {  	_ =	shalt  }
0x62: {  	_ =	shalt  }
0x63: {  	_ =	shalt  }
0x64: {  	_ =	shalt  }
0x65: {  	_ =	shalt  }
0x66: {  	_ =	shalt  }
0x67: {  	_ =	shalt  }
0x68: {  	_ =	shalt  }
0x69: {  	_ =	shalt  }
0x6a: {  	_ =	shalt  }
0x6b: {  	_ =	shalt  }
0x6c: {  	_ =	shalt  }
0x6d: {  	_ =	shalt  }
0x6e: {  	_ =	shalt  }
0x6f: {  	_ =	shalt  }
0x70: {  	_ =	shalt  }
0x71: {  	_ =	shalt  }
0x72: {  	_ =	shalt  }
0x73: {  	_ =	shalt  }
0x74: {  	_ =	shalt  }
0x75: {  	_ =	shalt  }
0x76: {  	_ =	shalt  }
0x77: {  	_ =	shalt  }
0x78: {  	_ =	shalt  }
0x79: {  	_ =	shalt  }
0x7a: {  	_ =	shalt  }
0x7b: {  	_ =	shalt  }
0x7c: {  	_ =	shalt  }
0x7d: {  	_ =	shalt  }
0x7e: {  	_ =	shalt  }
0x7f: {  	_ =	shalt  }
0x80: {  	_ =	shalt  }
0x81: {  	_ =	shalt  }
0x82: {  	_ =	shalt  }
0x83: {  	_ =	shalt  }
0x84: {  	_ =	shalt  }
0x85: {  	_ =	shalt  }
0x86: {  	_ =	shalt  }
0x87: {  	_ =	shalt  }
.Lfunc_end0:
.L_simem_size_0:
called_computation.3_lowered:
.L_overlay_start_0:
0x88: {  	s2 =	sld [smem:$0x3FD9]  }
0x89: {  	s3 =	sld [smem:$0x3FFE];
	_ =	sdelay $0x1  }
0x8a: {  	s1 =	srdreg.scid  }
0x8b: {  	s0 =	sand.u32 $0x1, s1  }
0x8c: {  	s14 =	sshll.u32 s0, $0xA;
	s2 =	sadd.s32 s3, s2  }
0x8d: {  	s2 =	sadd.s32 s2, s14  }
0x8e: {  	[smem:$0x3FC0] =	sst s2  }
0x8f: {  	_ = 	snop  }
0x90: {  	s2 =	sld [smem:$0x3FD0];
	_ =	sdelay $0x2  }
0x91: {  	s15 =	simm.s32 $0xA;
	s4 =	simm.s32 $0x10  }
0x92: {  	[smem:s4], [sflag:s15] =	dma.local [hbm:s2], $0x1  }
0x93: {  	_ =	swait.eq [sflag:s15], $0x1  }
0x94: {  	[sflag:s15] =	ssyncset.done $0x0  }
0x95: {  	[sflag:s15] =	ssyncadd.s32 $0xFFFFFFFF  }
0x96: {  	s16 =	sld [smem:$0x10];
	(tm) =	ssettm $0x1  }
0x97: {  	s17 =	sld [smem:$0x3FFB];
	_ =	sdelay $0x3  }
0x98: {  	_ =	strace s17  }
0x99: {  	s3 =	sld [smem:$0x3FFC];
	_ =	sdelay $0x3  }
0x9a: {  	_ =	strace s3  }
0x9b: {  	s3 =	sld [smem:$0x3FFD];
	_ =	sdelay $0x3  }
0x9c: {  	_ =	strace s3  }
0x9d: {  	_ =	strace $0x8FFFFFFF  }
0x9e: {  	s18 =	sld [smem:$0x3FDB];
	_ =	sdelay $0x1  }
0x9f: {  	s19 =	simm.s32 $_scs_section_size  }
0xa0: {  	s5 =	simm.s32 $_size__tile_overlayer_lowered;
	s6 =	simm.s32 $_tile_overlayer_lowered  }
0xa1: {  	s22 =	simm.s32 $0x1BFF;
	s21 =	sshll.u32 s6, $0x1;
	s3 =	sadd.s32 s19, s18  }
0xa2: {  	s7 =	simm.s32 $0x0;
	s20 =	sshll.u32 s5, $0x1;
	s5 =	sadd.s32 s21, s3  }
0xa3: {  	[timem:s7], [sflag:s22] =	dma.local [hbm:s5], s20  }
0xa4: {  	_ =	swait.ge [sflag:s22], s20  }
0xa5: {  	s4 =	ssub.s32 $0x0, s20;
	[sflag:s22] =	ssyncset.done $0x0  }
0xa6: {  	[sflag:s22] =	ssyncadd.s32 s4;
	_ =	sdelay $0x1  }
0xa7: {  	s23 =	simm.s32 $0x1B8B  }
0xa8: {  	_ =	swait.ge [sflag:s23], $0x1  }
0xa9: {  	[sflag:s23] =	ssyncset.done $0x0  }
0xaa: {  	s25 =	simm.s32 $0x1B8E;
	s24 =	sld [smem:$0x3FFE];
	[sflag:s23] =	ssyncadd.s32 $0xFFFFFFFF  }
0xab: {  	s26 =	simm.s32 $execute0_lowered;
	[smem:$0x3FD2] =	sst s25  }
0xac: {  	s5 =	sshll.u32 s26, $0x1;
	_ =	strace $0x8000004F;
	[dreg:$0x1] =	wrdreg $0xFFFFFFFF  }
0xad: {  	s28 =	simm.s32 $_size_execute0_lowered;
	s3 =	sadd.s32 s3, s5;
	[dreg:$0x0] =	wrdreg $0x0  }
0xae: {  	s5 =	sshll.u32 s28, $0x1;
	[dreg:$0x2] =	wrdreg s3  }
0xaf: {  	[dreg:$0x3] =	wrdreg s5  }
0xb0: {  	[dreg:$0x4] =	wrdreg $0xC0  }
0xb1: {  	_ =	task [dreg:s7], $0x5FFFF  }
0xb2: {  	[dreg:$0x1] =	wrdreg $0xFFFFFFFF  }
0xb3: {  	[dreg:$0x0] =	wrdreg $0x60  }
0xb4: {  	[dreg:$0x2] =	wrdreg s16  }
0xb5: {  	[dreg:$0x3] =	wrdreg s24  }
0xb6: {  	[dreg:$0x4] =	wrdreg $0x64000  }
0xb7: {  	[dreg:$0x5] =	wrdreg $0x9  }
0xb8: {  	_ =	task.clear_ibuf [dreg:s7], $0x6FFFF;
	_ =	strace $0x9000004F  }
0xb9: {  	s29 =	simm.s32 $0x9;
	_ =	strace $0x80000051  }
0xba: {  	_ =	swait.ge [sflag:s29], $0x1  }
0xbb: {  	[sflag:s29] =	ssyncadd.s32 $0xFFFFFFFF  }
0xbc: {  	_ =	strace $0x90000051  }
0xbd: {  	_ =	sfence  }
0xbe: {  	s30 =	sld [smem:$0x0];
	_ =	sdelay $0x2  }
0xbf: {  	s31 =	sshll.u32 s1, $0xD;
	s1 =	sshrl.u32 s1, $0x2  }
0xc0: {  	s3 =	sand.u32 $0x4000, s31;
	s1 =	sadd.s32 s1, s30  }
0xc1: {  	s0 =	sor.u32 s3, s0;
	s1 =	sshll.u32 s1, $0x11  }
0xc2: {  	s0 =	sor.u32 s1, s0  }
0xc3: {  	s0 =	sadd.s32 $0x8F2B, s0  }
0xc4: {  	[sflag:s0] =	ssyncadd.remote.s32 $0x1  }
0xc5: {  	_ =	sfence.sel $0xFFFF  }
0xc6: {  	[dreg:$0x0] =	wrdreg $0xFFFFFFFF;
	(pc) =	sbr.abs _section_cstart, $3  }
0xc7: {  	[dreg:$0x1] =	wrdreg $0xFFFFFFFF  }
0xc8: {  	_ =	task.clear_ibuf [dreg:s7], $0x2FFFF;
	_ =	strace $0x9FFFFFFF  }
0xc9: {  	(tm) =	ssettm $0x7FFFFFFF  }
tec
execute0_lowered:
.L_overlay_start_1:
0x0: {  	(tag) =	ssettag $0x1  }
0x1: {  	s0 =	rddreg [dreg:$0x0]  }
0x2: {  	s6 =	rddreg [dreg:$0x1]  }
0x3: {  	s1 =	srdreg.scid;
	s3 =	rddreg [dreg:$0x2]  }
0x4: {  	s2 =	stileid.u32;
	s4 =	simm.s32 $0x0;
	s13 =	simm.s32 $0x80  }
0x5: {  	s14 =	simm.s32 $0x5000;
	s5 =	sand.u32 $0x1, s1;
	s1 =	rddreg [dreg:$0x3]  }
0x6: {  	s15 =	simm.s32 $0x1;
	[smem:$0x7FF] =	sst s4;
	s11 =	smul.u32 $0x6400, s2  }
0x7: {  	s31 =	sshll.u32 s2, $0x6;
	s7 =	sshll.u32 s5, $0x4;
	_ =	strace $0x80000050  }
0x8: {  	s8 =	smul.u32 $0xC800, s5;
	s9 =	ssub.s32 $0x2, s5;
	s5 =	sadd.s32 $0x66E00, s6  }
0x9: {  	s7 =	sor.u32 s2, s7;
	s10 =	sshrl.u32 s9, $0x1;
	s12 =	sadd.s32 s11, s3  }
0xa: {  	s17 =	sshrl.u32 s11, $0x3;
	s11 =	sor.u32 $0x1C02, s31;
	s7 =	smul.u32 $0x500, s7  }
0xb: {  	s8 =	sadd.s32 s8, s6;
	s9 =	ssub.s32 s9, s10;
	s10 =	simm.s32 $0x2800  }
0xc: {  	s12 =	sshrl.u32 s12, $0x3;
	s16 =	sadd.s32 $0x67C00, s8;
	s8 =	smax.u32 s9, $0x1  }
0xd: {  	s9 =	simm.s32 $0x2;
	s7 =	sadd.s32 s7, s6;
	s16 =	sadd.s32 s17, s16  }
0xe: {  	s17 =	simm.s32 $0x0;
	s6 =	sadd.s32 $0xCE00, s7;
	s7 =	sadd.s32 $0x2E00, s7  }
.LBB2_1:
0xf: {  	[tilespmem:s4], [sflag:$0x2] =	stream.linear.gather [hbm4b:s6+s4], $0x2800, $0x38;
	[tilespmem:$0xC800] =	vst v63  }
0x10: {  	_ =	swait.ge [sflag:s9], $0x2800  }
0x11: {  	[sflag:s9] =	ssyncset.done $0x0  }
0x12: {  	[sflag:s9] =	ssyncadd.s32 $0xFFFFD800  }
0x13: {  	[tilespmem:s10], [sflag:$0x2] =	stream.linear.gather [hbm4b:s7+s4], $0x2800, $0x38;
	[tilespmem:$0xC800] =	vst v63  }
0x14: {  	_ =	swait.ge [sflag:s9], $0x2800  }
0x15: {  	[sflag:s9] =	ssyncset.done $0x0  }
0x16: {  	[sflag:s9] =	ssyncadd.s32 $0xFFFFD800  }
0x17: {  	[spmem:s12], [sflag:s11] =	dma.local [hbm:s5], $0xC80  }
0x18: {  	_ =	swait.ge [sflag:s9], $0xC80  }
0x19: {  	[sflag:s9] =	ssyncset.done $0x0  }
0x1a: {  	[sflag:s9] =	ssyncadd.s32 $0xFFFFF380  }
0x1b: {  	s18 =	simm.s32 $0x0;
	[bflag:$0x0] =	sbarrier.arrive $0xFFFF  }
0x1c: {  	[tilespmem:s14], [sflag:$0x1] =	stream.indirect.gather [hbm4b:s0+s13], $0x28, s18, s13, $0xb8;
	[tilespmem:$0xC800] =	vst v63  }
0x1d: {  	_ =	swait.ge [sflag:s15], $0x1400  }
0x1e: {  	[sflag:s15] =	ssyncset.done $0x0  }
0x1f: {  	s31 =	simm.s32 $0x2800;
	[sflag:s15] =	ssyncadd.s32 $0xFFFFEC00  }
0x20: {  	[spmem:s3] =	stream.indirect.scatter.add.f32 [tilespmem:s14], [sflag:$0x2], $0x28, s31, s13, $0xb8;
	[tilespmem:$0xC800] =	vst v63  }
0x21: {  	_ =	swait.ge [sflag:s9], $0x1400  }
0x22: {  	s19 =	simm.s32 $0x400;
	s18 =	simm.s32 $0x200;
	[sflag:s9] =	ssyncset.done $0x0  }
.LBB2_2:
0x23: {  	s20 =	sshra.s32 s18, $0x2  }
0x24: {  	[sflag:s9] =	ssyncadd.s32 $0xFFFFEC00;
	s18 =	smov.u32 s19;
	s21 =	sadd.s32 $0x200, s19  }
0x25: {  	[tilespmem:s14], [sflag:$0x1] =	stream.indirect.gather [hbm4b:s0+s13], $0x28, s20, s13, $0xb8;
	[tilespmem:$0xC800] =	vst v63  }
0x26: {  	p0 =	sne.s32 s19, $0x9E00;
	_ =	swait.ge [sflag:s15], $0x1400  }
.Ltmp0:
0x27: {  	[sflag:s15] =	ssyncset.done $0x0;
	(pc) =	sbr.rel @p0 .LBB2_2-.Ltmp0, $4  }
0x28: {  	s19 =	sadd.s32 $0x2800, s20;
	[sflag:s15] =	ssyncadd.s32 $0xFFFFEC00  }
0x29: {  	[spmem:s3] =	stream.indirect.scatter.add.f32 [tilespmem:s14], [sflag:$0x2], $0x28, s19, s13, $0xb8;
	[tilespmem:$0xC800] =	vst v63  }
0x2a: {  	_ =	swait.ge [sflag:s9], $0x1400  }
0x2b: {  	s19 =	smov.u32 s21;
	[sflag:s9] =	ssyncset.done $0x0  }
0x2c: {  	s18 =	sshra.s32 s18, $0x2;
	[sflag:s9] =	ssyncadd.s32 $0xFFFFEC00  }
0x2d: {  	[tilespmem:s14], [sflag:$0x1] =	stream.indirect.gather [hbm4b:s0+s13], $0x28, s18, s13, $0xb8;
	[tilespmem:$0xC800] =	vst v63  }
0x2e: {  	_ =	swait.ge [sflag:s15], $0x1400  }
0x2f: {  	[sflag:s15] =	ssyncset.done $0x0  }
0x30: {  	s18 =	sadd.s32 $0x2800, s18;
	[sflag:s15] =	ssyncadd.s32 $0xFFFFEC00  }
0x31: {  	[spmem:s3] =	stream.indirect.scatter.add.f32 [tilespmem:s14], [sflag:$0x2], $0x28, s18, s13, $0xb8;
	[tilespmem:$0xC800] =	vst v63  }
0x32: {  	_ =	swait.ge [sflag:s9], $0x1400  }
0x33: {  	s17 =	sadd.s32 $0x1, s17;
	[sflag:s9] =	ssyncset.done $0x0  }
0x34: {  	p0 =	sne.s32 s17, s8;
	[sflag:s9] =	ssyncadd.s32 $0xFFFFEC00  }
.Ltmp1:
0x35: {  	[bflag:$0x0] =	sbarrier.arrive $0xFFFF;
	(pc) =	sbr.rel @p0 .LBB2_1-.Ltmp1, $4  }
0x36: {  	[hbm:s16], [sflag:s11] =	dma.local [spmem:s12], $0xC80  }
0x37: {  	_ =	swait.ge [sflag:s9], $0xC80  }
0x38: {  	[sflag:s9] =	ssyncset.done $0x0  }
0x39: {  	[sflag:s9] =	ssyncadd.s32 $0xFFFFF380  }
0x3a: {  	_ =	sfence.sel $0x180000  }
0x3b: {  	[bflag:$0x0] =	sbarrier.arrive $0xFFFF  }
0x3c: {  	p0 =	sne.s32 s2, $0x0;
	_ =	strace $0x90000050  }
0x3d: {  	s0 =	sadd.s32 @!p0 $0x100000, s1;
	[bflag:$0x2] =	sbarrier.arrive $0xFFFF  }
0x3e: {  	[sflag:s0] =	ssyncadd.tile.s32 @!p0 $0x1;
	_ =	shalt  }
.Lfunc_end2:
_tile_overlayer_lowered:
.L_overlay_start_2:
0x3f: {  	(tag) =	ssettag $0x2  }
0x40: {  	s0 =	rddreg [dreg:$0x0];
	s2 =	stileid.u32  }
0x41: {  	s1 =	rddreg [dreg:$0x1];
	p0 =	sne.s32 s2, $0x0  }
0x42: {  	s3 =	rddreg [dreg:$0x2];
	[bflag:$0x3] =	sbarrier.arrive $0xFFFF;
	s2 =	simm.s32 @!p0 $0x1C02  }
0x43: {  	[timem:s3], [sflag:s2] =	dma.local @!p0 [hbm:s0], s1  }
0x44: {  	s0 =	simm.s32 @!p0 $0x2  }
0x45: {  	_ =	swait.ge @!p0 [sflag:s0], s1  }
0x46: {  	s1 =	ssub.s32 @!p0 $0x0, s1;
	[sflag:s0] =	ssyncset.done @!p0 $0x0  }
0x47: {  	[sflag:s0] =	ssyncadd.s32 @!p0 s1  }
0x48: {  	[bflag:$0x3] =	sbarrier.arrive $0xFFFF  }
0x49: {  	_ =	shalt  }

</sc_bundles>
